<compile_context>
chip_gen: v7x
topology: tpu7x:2x2x1
jax: 0.10.2.dev20260603
libtpu: 0.0.44.dev20260713+nightly
codegen_flags: <defaults>
</compile_context>

<pallas_src>
import jax
import jax.numpy as jnp
from jax import lax
from jax.experimental import pallas as pl
from jax.experimental.pallas import tpu as pltpu
from jax.experimental.pallas import tpu_sc as plsc

VOCAB = 100000
DIM = 128
BATCH = 16384

NUM_CORES = 2
NUM_SUBCORES = 16
NUM_WORKERS = NUM_CORES * NUM_SUBCORES
PER_WORKER = BATCH // NUM_WORKERS
CHUNK = 128
NUM_CHUNKS = PER_WORKER // CHUNK
LANES = 16
VREGS_PER_ROW = DIM // LANES
UNROLL = 4


def _normalize_row(rows_v, i):
    x = [rows_v[i, pl.ds(LANES * j, LANES)] for j in range(VREGS_PER_ROW)]
    sq = [v * v for v in x]
    while len(sq) > 1:
        sq = [sq[k] + sq[k + 1] for k in range(0, len(sq), 2)]
    acc = sq[0]
    lane = lax.iota(jnp.int32, LANES)
    dnums = lax.GatherDimensionNumbers(
        offset_dims=(), collapsed_slice_dims=(0,), start_index_map=(0,)
    )
    sv = acc
    for k in (8, 4, 2, 1):
        perm = jnp.reshape(lane ^ k, (LANES, 1))
        sv = sv + lax.gather(
            sv, perm, dnums, (1,),
            mode=lax.GatherScatterMode.PROMISE_IN_BOUNDS,
        )
    bits = plsc.bitcast(sv, jnp.int32)
    magic = jnp.int32(0x5F3759DF)
    y = plsc.bitcast(magic - lax.shift_right_logical(bits, 1), jnp.float32)
    half = sv * jnp.float32(0.5)
    for _ in range(1):
        y = y * (jnp.float32(1.5) - half * y * y)
    scale = jnp.where(sv > jnp.float32(1e-24), y, jnp.float32(1e12))
    for j in range(VREGS_PER_ROW):
        rows_v[i, pl.ds(LANES * j, LANES)] = x[j] * scale


def _body(idx_hbm, table_hbm, out_hbm, idx_v, rows_v, gs0, gs1, gs2, gs3, osem):
    wid = lax.axis_index("s") * NUM_CORES + lax.axis_index("c")
    base = wid * PER_WORKER
    gsems = [gs0, gs1, gs2, gs3]

    pltpu.sync_copy(idx_hbm.at[pl.ds(base, CHUNK)], idx_v.at[pl.ds(0, CHUNK)])
    gcopies = [
        pltpu.async_copy(
            table_hbm.at[idx_v.at[pl.ds(0, CHUNK)]],
            rows_v.at[pl.ds(0, CHUNK)],
            gsems[0],
        )
    ]
    pltpu.sync_copy(
        idx_hbm.at[pl.ds(base + CHUNK, PER_WORKER - CHUNK)],
        idx_v.at[pl.ds(CHUNK, PER_WORKER - CHUNK)],
    )
    for j in range(1, NUM_CHUNKS):
        gcopies.append(
            pltpu.async_copy(
                table_hbm.at[idx_v.at[pl.ds(j * CHUNK, CHUNK)]],
                rows_v.at[pl.ds(j * CHUNK, CHUNK)],
                gsems[j],
            )
        )

    ocopies = []
    for w in range(NUM_CHUNKS):
        gcopies[w].wait()
        lo = w * CHUNK

        @plsc.parallel_loop(lo, lo + CHUNK, 1, unroll=UNROLL)
        def _(i):
            _normalize_row(rows_v, i)

        ocopies.append(
            pltpu.async_copy(
                rows_v.at[pl.ds(lo, CHUNK)],
                out_hbm.at[pl.ds(base + lo, CHUNK)],
                osem,
            )
        )
    for c in ocopies:
        c.wait()


@jax.jit
def kernel(input, W):
    mesh = plsc.VectorSubcoreMesh(core_axis_name="c", subcore_axis_name="s")
    run = pl.kernel(
        _body,
        out_type=jax.ShapeDtypeStruct((BATCH, DIM), jnp.float32),
        mesh=mesh,
        compiler_params=pltpu.CompilerParams(needs_layout_passes=False, disable_bounds_checks=True),
        scratch_types=[
            pltpu.VMEM((PER_WORKER,), jnp.int32),
            pltpu.VMEM((PER_WORKER, DIM), jnp.float32),
            pltpu.SemaphoreType.DMA,
            pltpu.SemaphoreType.DMA,
            pltpu.SemaphoreType.DMA,
            pltpu.SemaphoreType.DMA,
            pltpu.SemaphoreType.DMA,
        ],
    )
    return run(input, W)

# --- scband reference (transcript-rebuilt; emitter-appended) ---
"""Pipeline reference for scband-embedding-19327352832533 (READ-ONLY COPY).

The authoritative reference and input builder live on the scoring server;
editing this copy changes nothing except your own understanding.
"""

import jax, jax.numpy as jnp
import numpy as np

VOCAB = 100000
DIM = 128
BATCH = 16384

def setup_inputs(seed: int = 0) -> dict:
    key = jax.random.key(seed)
    k1, k2 = jax.random.split(key)
    input_idx = jax.random.randint(k1, (BATCH,), 0, VOCAB, dtype=jnp.int64 if jax.config.jax_enable_x64 else jnp.int32).astype(jnp.int32)
    W = jax.random.normal(k2, (VOCAB, DIM), dtype=jnp.float32) * 0.01
    return {"input": input_idx, "W": W}

def reference(input, W):
    # emb = W[input]
    emb = jnp.take(W, input, axis=0)
    # torch.nn.functional.normalize(emb, dim=1): x / max(||x||_2, eps)
    norm = jnp.linalg.norm(emb, ord=2, axis=1, keepdims=True)
    return emb / jnp.maximum(norm, 1e-12)

if __name__ == "__main__":
    import jax
    _d = setup_inputs()
    print(jax.jit(kernel)(*tuple(_d.values())))

</pallas_src>

<mosaic_0001>
#map = affine_map<(d0, d1) -> (0)>
#map1 = affine_map<(d0, d1) -> (0, 0)>
module attributes {stable_mosaic.version = 14 : i64} {
  func.func @_body(%arg0: i32, %arg1: i32, %arg2: memref<16384xi32, #tpu.memory_space<hbm>>, %arg3: memref<100000x128xf32, #tpu.memory_space<hbm>>, %arg4: memref<16384x128xf32, #tpu.memory_space<hbm>>, %arg5: memref<512xi32, #tpu.memory_space<vmem>>, %arg6: memref<512x128xf32, #tpu.memory_space<vmem>>, %arg7: memref<!tpu.dma_semaphore, #tpu.memory_space<semaphore_mem>>, %arg8: memref<!tpu.dma_semaphore, #tpu.memory_space<semaphore_mem>>, %arg9: memref<!tpu.dma_semaphore, #tpu.memory_space<semaphore_mem>>, %arg10: memref<!tpu.dma_semaphore, #tpu.memory_space<semaphore_mem>>, %arg11: memref<!tpu.dma_semaphore, #tpu.memory_space<semaphore_mem>>) attributes {dimension_semantics = [#tpu.dimension_semantics<core_parallel>, #tpu.dimension_semantics<subcore_parallel>], iteration_bounds = array<i64: 2, 16>, scalar_prefetch = 0 : i64, scratch_operands = 7 : i64, tpu.core_type = #tpu.core_type<sc_vector_subcore>, window_params = [{transform_indices = #map}, {transform_indices = #map1}, {transform_indices = #map1}]} {
    %mul3A = arith.constant 2 : i32
    %mul3A_0 = arith.muli %arg1, %mul3A : i32
    %add3A = arith.addi %mul3A_0, %arg0 : i32
    %mul3A_1 = arith.constant 512 : i32
    %mul3A_2 = arith.muli %add3A, %mul3A_1 : i32
    "tpu.region"() ({
      %run_scoped3A = tpu.sem_alloc : memref<!tpu.dma_semaphore, #tpu.memory_space<semaphore_mem>>
      %dma_start3A_166 = arith.constant 0 : i32
      %dma_start3A_167 = tpu.memref_slice %arg5[%dma_start3A_166] : memref<512xi32, #tpu.memory_space<vmem>> -> memref<128xi32, #tpu.memory_space<vmem>>
      %dma_start3A_168 = tpu.memref_slice %arg2[%mul3A_2] : memref<16384xi32, #tpu.memory_space<hbm>> -> memref<128xi32, #tpu.memory_space<hbm>>
      %dma_start3A_169 = arith.constant 0 : i32
      %dma_start3A_170 = tpu.memref_slice %arg5[%dma_start3A_169] : memref<512xi32, #tpu.memory_space<vmem>> -> memref<128xi32, #tpu.memory_space<vmem>>
      %dma_start3A_171 = tpu.memref_slice %arg2[%mul3A_2] : memref<16384xi32, #tpu.memory_space<hbm>> -> memref<128xi32, #tpu.memory_space<hbm>>
      tpu.enqueue_dma source(%dma_start3A_171 : memref<128xi32, #tpu.memory_space<hbm>>) target(%dma_start3A_170 : memref<128xi32, #tpu.memory_space<vmem>>) target_semaphore(%run_scoped3A : memref<!tpu.dma_semaphore, #tpu.memory_space<semaphore_mem>>)
      %dma_wait3A_172 = arith.constant 0 : i32
      %dma_wait3A_173 = tpu.memref_slice %arg5[%dma_wait3A_172] : memref<512xi32, #tpu.memory_space<vmem>> -> memref<128xi32, #tpu.memory_space<vmem>>
      %dma_wait3A_174 = tpu.memref_slice %arg2[%mul3A_2] : memref<16384xi32, #tpu.memory_space<hbm>> -> memref<128xi32, #tpu.memory_space<hbm>>
      %dma_wait3A_175 = arith.constant 0 : i32
      %dma_wait3A_176 = tpu.memref_slice %arg5[%dma_wait3A_175] : memref<512xi32, #tpu.memory_space<vmem>> -> memref<128xi32, #tpu.memory_space<vmem>>
      %dma_wait3A_177 = tpu.memref_slice %arg2[%mul3A_2] : memref<16384xi32, #tpu.memory_space<hbm>> -> memref<128xi32, #tpu.memory_space<hbm>>
      tpu.wait_dma2 semaphore(%run_scoped3A : memref<!tpu.dma_semaphore, #tpu.memory_space<semaphore_mem>>) src(%dma_wait3A_177 : memref<128xi32, #tpu.memory_space<hbm>>) dst(%dma_wait3A_176 : memref<128xi32, #tpu.memory_space<vmem>>)
      tpu.yield
    }) : () -> ()
    %dma_start3A = arith.constant 0 : i32
    %dma_start3A_3 = arith.constant 0 : i32
    %dma_start3A_4 = tpu.memref_slice %arg6[%dma_start3A, %dma_start3A_3] : memref<512x128xf32, #tpu.memory_space<vmem>> -> memref<128x128xf32, #tpu.memory_space<vmem>>
    %dma_start3A_5 = arith.constant 0 : i32
    %dma_start3A_6 = tpu.memref_slice %arg5[%dma_start3A_5] : memref<512xi32, #tpu.memory_space<vmem>> -> memref<128xi32, #tpu.memory_space<vmem>>
    %dma_start3A_7 = arith.constant 0 : i32
    %dma_start3A_8 = arith.constant 0 : i32
    %dma_start3A_9 = tpu.memref_slice %arg3[%dma_start3A_7, %dma_start3A_8] : memref<100000x128xf32, #tpu.memory_space<hbm>> -> memref<100000x128xf32, #tpu.memory_space<hbm>>
    tpu.enqueue_indirect_dma source(%dma_start3A_9 : memref<100000x128xf32, #tpu.memory_space<hbm>>) target(%dma_start3A_4 : memref<128x128xf32, #tpu.memory_space<vmem>>) offsets(%dma_start3A_6 : memref<128xi32, #tpu.memory_space<vmem>>) semaphore(%arg7 : memref<!tpu.dma_semaphore, #tpu.memory_space<semaphore_mem>>)
    %add3A_10 = arith.constant 128 : i32
    %add3A_11 = arith.addi %mul3A_2, %add3A_10 : i32
    "tpu.region"() ({
      %run_scoped3A = tpu.sem_alloc : memref<!tpu.dma_semaphore, #tpu.memory_space<semaphore_mem>>
      %dma_start3A_166 = arith.constant 128 : i32
      %dma_start3A_167 = tpu.memref_slice %arg5[%dma_start3A_166] : memref<512xi32, #tpu.memory_space<vmem>> -> memref<384xi32, #tpu.memory_space<vmem>>
      %dma_start3A_168 = tpu.memref_slice %arg2[%add3A_11] : memref<16384xi32, #tpu.memory_space<hbm>> -> memref<384xi32, #tpu.memory_space<hbm>>
      %dma_start3A_169 = arith.constant 128 : i32
      %dma_start3A_170 = tpu.memref_slice %arg5[%dma_start3A_169] : memref<512xi32, #tpu.memory_space<vmem>> -> memref<384xi32, #tpu.memory_space<vmem>>
      %dma_start3A_171 = tpu.memref_slice %arg2[%add3A_11] : memref<16384xi32, #tpu.memory_space<hbm>> -> memref<384xi32, #tpu.memory_space<hbm>>
      tpu.enqueue_dma source(%dma_start3A_171 : memref<384xi32, #tpu.memory_space<hbm>>) target(%dma_start3A_170 : memref<384xi32, #tpu.memory_space<vmem>>) target_semaphore(%run_scoped3A : memref<!tpu.dma_semaphore, #tpu.memory_space<semaphore_mem>>)
      %dma_wait3A_172 = arith.constant 128 : i32
      %dma_wait3A_173 = tpu.memref_slice %arg5[%dma_wait3A_172] : memref<512xi32, #tpu.memory_space<vmem>> -> memref<384xi32, #tpu.memory_space<vmem>>
      %dma_wait3A_174 = tpu.memref_slice %arg2[%add3A_11] : memref<16384xi32, #tpu.memory_space<hbm>> -> memref<384xi32, #tpu.memory_space<hbm>>
      %dma_wait3A_175 = arith.constant 128 : i32
      %dma_wait3A_176 = tpu.memref_slice %arg5[%dma_wait3A_175] : memref<512xi32, #tpu.memory_space<vmem>> -> memref<384xi32, #tpu.memory_space<vmem>>
      %dma_wait3A_177 = tpu.memref_slice %arg2[%add3A_11] : memref<16384xi32, #tpu.memory_space<hbm>> -> memref<384xi32, #tpu.memory_space<hbm>>
      tpu.wait_dma2 semaphore(%run_scoped3A : memref<!tpu.dma_semaphore, #tpu.memory_space<semaphore_mem>>) src(%dma_wait3A_177 : memref<384xi32, #tpu.memory_space<hbm>>) dst(%dma_wait3A_176 : memref<384xi32, #tpu.memory_space<vmem>>)
      tpu.yield
    }) : () -> ()
    %dma_start3A_12 = arith.constant 128 : i32
    %dma_start3A_13 = arith.constant 0 : i32
    %dma_start3A_14 = tpu.memref_slice %arg6[%dma_start3A_12, %dma_start3A_13] : memref<512x128xf32, #tpu.memory_space<vmem>> -> memref<128x128xf32, #tpu.memory_space<vmem>>
    %dma_start3A_15 = arith.constant 128 : i32
    %dma_start3A_16 = tpu.memref_slice %arg5[%dma_start3A_15] : memref<512xi32, #tpu.memory_space<vmem>> -> memref<128xi32, #tpu.memory_space<vmem>>
    %dma_start3A_17 = arith.constant 0 : i32
    %dma_start3A_18 = arith.constant 0 : i32
    %dma_start3A_19 = tpu.memref_slice %arg3[%dma_start3A_17, %dma_start3A_18] : memref<100000x128xf32, #tpu.memory_space<hbm>> -> memref<100000x128xf32, #tpu.memory_space<hbm>>
    tpu.enqueue_indirect_dma source(%dma_start3A_19 : memref<100000x128xf32, #tpu.memory_space<hbm>>) target(%dma_start3A_14 : memref<128x128xf32, #tpu.memory_space<vmem>>) offsets(%dma_start3A_16 : memref<128xi32, #tpu.memory_space<vmem>>) semaphore(%arg8 : memref<!tpu.dma_semaphore, #tpu.memory_space<semaphore_mem>>)
    %dma_start3A_20 = arith.constant 256 : i32
    %dma_start3A_21 = arith.constant 0 : i32
    %dma_start3A_22 = tpu.memref_slice %arg6[%dma_start3A_20, %dma_start3A_21] : memref<512x128xf32, #tpu.memory_space<vmem>> -> memref<128x128xf32, #tpu.memory_space<vmem>>
    %dma_start3A_23 = arith.constant 256 : i32
    %dma_start3A_24 = tpu.memref_slice %arg5[%dma_start3A_23] : memref<512xi32, #tpu.memory_space<vmem>> -> memref<128xi32, #tpu.memory_space<vmem>>
    %dma_start3A_25 = arith.constant 0 : i32
    %dma_start3A_26 = arith.constant 0 : i32
    %dma_start3A_27 = tpu.memref_slice %arg3[%dma_start3A_25, %dma_start3A_26] : memref<100000x128xf32, #tpu.memory_space<hbm>> -> memref<100000x128xf32, #tpu.memory_space<hbm>>
    tpu.enqueue_indirect_dma source(%dma_start3A_27 : memref<100000x128xf32, #tpu.memory_space<hbm>>) target(%dma_start3A_22 : memref<128x128xf32, #tpu.memory_space<vmem>>) offsets(%dma_start3A_24 : memref<128xi32, #tpu.memory_space<vmem>>) semaphore(%arg9 : memref<!tpu.dma_semaphore, #tpu.memory_space<semaphore_mem>>)
    %dma_start3A_28 = arith.constant 384 : i32
    %dma_start3A_29 = arith.constant 0 : i32
    %dma_start3A_30 = tpu.memref_slice %arg6[%dma_start3A_28, %dma_start3A_29] : memref<512x128xf32, #tpu.memory_space<vmem>> -> memref<128x128xf32, #tpu.memory_space<vmem>>
    %dma_start3A_31 = arith.constant 384 : i32
    %dma_start3A_32 = tpu.memref_slice %arg5[%dma_start3A_31] : memref<512xi32, #tpu.memory_space<vmem>> -> memref<128xi32, #tpu.memory_space<vmem>>
    %dma_start3A_33 = arith.constant 0 : i32
    %dma_start3A_34 = arith.constant 0 : i32
    %dma_start3A_35 = tpu.memref_slice %arg3[%dma_start3A_33, %dma_start3A_34] : memref<100000x128xf32, #tpu.memory_space<hbm>> -> memref<100000x128xf32, #tpu.memory_space<hbm>>
    tpu.enqueue_indirect_dma source(%dma_start3A_35 : memref<100000x128xf32, #tpu.memory_space<hbm>>) target(%dma_start3A_30 : memref<128x128xf32, #tpu.memory_space<vmem>>) offsets(%dma_start3A_32 : memref<128xi32, #tpu.memory_space<vmem>>) semaphore(%arg10 : memref<!tpu.dma_semaphore, #tpu.memory_space<semaphore_mem>>)
    %dma_wait3A = arith.constant 0 : i32
    %dma_wait3A_36 = arith.constant 0 : i32
    %dma_wait3A_37 = tpu.memref_slice %arg6[%dma_wait3A, %dma_wait3A_36] : memref<512x128xf32, #tpu.memory_space<vmem>> -> memref<128x128xf32, #tpu.memory_space<vmem>>
    %dma_wait3A_38 = arith.constant 0 : i32
    %dma_wait3A_39 = tpu.memref_slice %arg5[%dma_wait3A_38] : memref<512xi32, #tpu.memory_space<vmem>> -> memref<128xi32, #tpu.memory_space<vmem>>
    %dma_wait3A_40 = arith.constant 0 : i32
    %dma_wait3A_41 = arith.constant 0 : i32
    %dma_wait3A_42 = tpu.memref_slice %arg3[%dma_wait3A_40, %dma_wait3A_41] : memref<100000x128xf32, #tpu.memory_space<hbm>> -> memref<100000x128xf32, #tpu.memory_space<hbm>>
    tpu.wait_indirect_dma semaphore(%arg7 : memref<!tpu.dma_semaphore, #tpu.memory_space<semaphore_mem>>) src(%dma_wait3A_42 : memref<100000x128xf32, #tpu.memory_space<hbm>>) dst(%dma_wait3A_37 : memref<128x128xf32, #tpu.memory_space<vmem>>)
    %parallel_loop3A = arith.constant 0 : i32
    %parallel_loop3A_43 = arith.constant 128 : i32
    %parallel_loop3A_44 = arith.constant 1 : i32
    scf.for %parallel_loop3A_166 = %parallel_loop3A to %parallel_loop3A_43 step %parallel_loop3A_44  : i32 {
      %parallel_loop3A_167 = arith.index_cast %parallel_loop3A_166 : i32 to index
      %parallel_loop3A_168 = arith.constant 0 : index
      %parallel_loop3A_169 = tpu.vector_load %arg6[%parallel_loop3A_167, %parallel_loop3A_168] {strides = array<i32>} : memref<512x128xf32, #tpu.memory_space<vmem>>, vector<16xf32>,
      %parallel_loop3A_170 = arith.index_cast %parallel_loop3A_166 : i32 to index
      %parallel_loop3A_171 = arith.constant 16 : index
      %parallel_loop3A_172 = tpu.vector_load %arg6[%parallel_loop3A_170, %parallel_loop3A_171] {strides = array<i32>} : memref<512x128xf32, #tpu.memory_space<vmem>>, vector<16xf32>,
      %parallel_loop3A_173 = arith.index_cast %parallel_loop3A_166 : i32 to index
      %parallel_loop3A_174 = arith.constant 32 : index
      %parallel_loop3A_175 = tpu.vector_load %arg6[%parallel_loop3A_173, %parallel_loop3A_174] {strides = array<i32>} : memref<512x128xf32, #tpu.memory_space<vmem>>, vector<16xf32>,
      %parallel_loop3A_176 = arith.index_cast %parallel_loop3A_166 : i32 to index
      %parallel_loop3A_177 = arith.constant 48 : index
      %parallel_loop3A_178 = tpu.vector_load %arg6[%parallel_loop3A_176, %parallel_loop3A_177] {strides = array<i32>} : memref<512x128xf32, #tpu.memory_space<vmem>>, vector<16xf32>,
      %parallel_loop3A_179 = arith.index_cast %parallel_loop3A_166 : i32 to index
      %parallel_loop3A_180 = arith.constant 64 : index
      %parallel_loop3A_181 = tpu.vector_load %arg6[%parallel_loop3A_179, %parallel_loop3A_180] {strides = array<i32>} : memref<512x128xf32, #tpu.memory_space<vmem>>, vector<16xf32>,
      %parallel_loop3A_182 = arith.index_cast %parallel_loop3A_166 : i32 to index
      %parallel_loop3A_183 = arith.constant 80 : index
      %parallel_loop3A_184 = tpu.vector_load %arg6[%parallel_loop3A_182, %parallel_loop3A_183] {strides = array<i32>} : memref<512x128xf32, #tpu.memory_space<vmem>>, vector<16xf32>,
      %parallel_loop3A_185 = arith.index_cast %parallel_loop3A_166 : i32 to index
      %parallel_loop3A_186 = arith.constant 96 : index
      %parallel_loop3A_187 = tpu.vector_load %arg6[%parallel_loop3A_185, %parallel_loop3A_186] {strides = array<i32>} : memref<512x128xf32, #tpu.memory_space<vmem>>, vector<16xf32>,
      %parallel_loop3A_188 = arith.index_cast %parallel_loop3A_166 : i32 to index
      %parallel_loop3A_189 = arith.constant 112 : index
      %parallel_loop3A_190 = tpu.vector_load %arg6[%parallel_loop3A_188, %parallel_loop3A_189] {strides = array<i32>} : memref<512x128xf32, #tpu.memory_space<vmem>>, vector<16xf32>,
      %parallel_loop3A_191 = arith.mulf %parallel_loop3A_169, %parallel_loop3A_169 : vector<16xf32>
      %parallel_loop3A_192 = arith.mulf %parallel_loop3A_172, %parallel_loop3A_172 : vector<16xf32>
      %parallel_loop3A_193 = arith.mulf %parallel_loop3A_175, %parallel_loop3A_175 : vector<16xf32>
      %parallel_loop3A_194 = arith.mulf %parallel_loop3A_178, %parallel_loop3A_178 : vector<16xf32>
      %parallel_loop3A_195 = arith.mulf %parallel_loop3A_181, %parallel_loop3A_181 : vector<16xf32>
      %parallel_loop3A_196 = arith.mulf %parallel_loop3A_184, %parallel_loop3A_184 : vector<16xf32>
      %parallel_loop3A_197 = arith.mulf %parallel_loop3A_187, %parallel_loop3A_187 : vector<16xf32>
      %parallel_loop3A_198 = arith.mulf %parallel_loop3A_190, %parallel_loop3A_190 : vector<16xf32>
      %parallel_loop3A_199 = arith.addf %parallel_loop3A_191, %parallel_loop3A_192 : vector<16xf32>
      %parallel_loop3A_200 = arith.addf %parallel_loop3A_193, %parallel_loop3A_194 : vector<16xf32>
      %parallel_loop3A_201 = arith.addf %parallel_loop3A_195, %parallel_loop3A_196 : vector<16xf32>
      %parallel_loop3A_202 = arith.addf %parallel_loop3A_197, %parallel_loop3A_198 : vector<16xf32>
      %parallel_loop3A_203 = arith.addf %parallel_loop3A_199, %parallel_loop3A_200 : vector<16xf32>
      %parallel_loop3A_204 = arith.addf %parallel_loop3A_201, %parallel_loop3A_202 : vector<16xf32>
      %parallel_loop3A_205 = arith.addf %parallel_loop3A_203, %parallel_loop3A_204 : vector<16xf32>
      %parallel_loop3A_206 = tpu.iota {dimensions = array<i32: 0>} : vector<16xi32>
      %parallel_loop3A_207 = arith.constant 8 : i32
      %parallel_loop3A_208 = vector.broadcast %parallel_loop3A_207 : i32 to vector<16xi32>
      %parallel_loop3A_209 = arith.xori %parallel_loop3A_206, %parallel_loop3A_208 : vector<16xi32>
      %parallel_loop3A_210 = vector.shape_cast %parallel_loop3A_209 : vector<16xi32> to vector<16x1xi32>
      %parallel_loop3A_211 = vector.shape_cast %parallel_loop3A_210 : vector<16x1xi32> to vector<16xi32>
      %parallel_loop3A_212 = tpu.dynamic_gather %parallel_loop3A_205[%parallel_loop3A_211] in [0] : vector<16xf32>, vector<16xi32> -> vector<16xf32>
      %parallel_loop3A_213 = arith.addf %parallel_loop3A_205, %parallel_loop3A_212 : vector<16xf32>
      %parallel_loop3A_214 = arith.constant 4 : i32
      %parallel_loop3A_215 = vector.broadcast %parallel_loop3A_214 : i32 to vector<16xi32>
      %parallel_loop3A_216 = arith.xori %parallel_loop3A_206, %parallel_loop3A_215 : vector<16xi32>
      %parallel_loop3A_217 = vector.shape_cast %parallel_loop3A_216 : vector<16xi32> to vector<16x1xi32>
      %parallel_loop3A_218 = vector.shape_cast %parallel_loop3A_217 : vector<16x1xi32> to vector<16xi32>
      %parallel_loop3A_219 = tpu.dynamic_gather %parallel_loop3A_213[%parallel_loop3A_218] in [0] : vector<16xf32>, vector<16xi32> -> vector<16xf32>
      %parallel_loop3A_220 = arith.addf %parallel_loop3A_213, %parallel_loop3A_219 : vector<16xf32>
      %parallel_loop3A_221 = arith.constant 2 : i32
      %parallel_loop3A_222 = vector.broadcast %parallel_loop3A_221 : i32 to vector<16xi32>
      %parallel_loop3A_223 = arith.xori %parallel_loop3A_206, %parallel_loop3A_222 : vector<16xi32>
      %parallel_loop3A_224 = vector.shape_cast %parallel_loop3A_223 : vector<16xi32> to vector<16x1xi32>
      %parallel_loop3A_225 = vector.shape_cast %parallel_loop3A_224 : vector<16x1xi32> to vector<16xi32>
      %parallel_loop3A_226 = tpu.dynamic_gather %parallel_loop3A_220[%parallel_loop3A_225] in [0] : vector<16xf32>, vector<16xi32> -> vector<16xf32>
      %parallel_loop3A_227 = arith.addf %parallel_loop3A_220, %parallel_loop3A_226 : vector<16xf32>
      %parallel_loop3A_228 = arith.constant 1 : i32
      %parallel_loop3A_229 = vector.broadcast %parallel_loop3A_228 : i32 to vector<16xi32>
      %parallel_loop3A_230 = arith.xori %parallel_loop3A_206, %parallel_loop3A_229 : vector<16xi32>
      %parallel_loop3A_231 = vector.shape_cast %parallel_loop3A_230 : vector<16xi32> to vector<16x1xi32>
      %parallel_loop3A_232 = vector.shape_cast %parallel_loop3A_231 : vector<16x1xi32> to vector<16xi32>
      %parallel_loop3A_233 = tpu.dynamic_gather %parallel_loop3A_227[%parallel_loop3A_232] in [0] : vector<16xf32>, vector<16xi32> -> vector<16xf32>
      %parallel_loop3A_234 = arith.addf %parallel_loop3A_227, %parallel_loop3A_233 : vector<16xf32>
      %parallel_loop3A_235 = vector.bitcast %parallel_loop3A_234 : vector<16xf32> to vector<16xi32>
      %parallel_loop3A_236 = arith.constant 1 : i32
      %parallel_loop3A_237 = vector.broadcast %parallel_loop3A_236 : i32 to vector<16xi32>
      %parallel_loop3A_238 = arith.shrui %parallel_loop3A_235, %parallel_loop3A_237 : vector<16xi32>
      %parallel_loop3A_239 = arith.constant 1597463007 : i32
      %parallel_loop3A_240 = vector.broadcast %parallel_loop3A_239 : i32 to vector<16xi32>
      %parallel_loop3A_241 = arith.subi %parallel_loop3A_240, %parallel_loop3A_238 : vector<16xi32>
      %parallel_loop3A_242 = vector.bitcast %parallel_loop3A_241 : vector<16xi32> to vector<16xf32>
      %parallel_loop3A_243 = arith.constant 5.000000e-01 : f32
      %parallel_loop3A_244 = vector.broadcast %parallel_loop3A_243 : f32 to vector<16xf32>
      %parallel_loop3A_245 = arith.mulf %parallel_loop3A_234, %parallel_loop3A_244 : vector<16xf32>
      %parallel_loop3A_246 = arith.mulf %parallel_loop3A_245, %parallel_loop3A_242 : vector<16xf32>
      %parallel_loop3A_247 = arith.mulf %parallel_loop3A_246, %parallel_loop3A_242 : vector<16xf32>
      %parallel_loop3A_248 = arith.constant 1.500000e+00 : f32
      %parallel_loop3A_249 = vector.broadcast %parallel_loop3A_248 : f32 to vector<16xf32>
      %parallel_loop3A_250 = arith.subf %parallel_loop3A_249, %parallel_loop3A_247 : vector<16xf32>
      %parallel_loop3A_251 = arith.mulf %parallel_loop3A_242, %parallel_loop3A_250 : vector<16xf32>
      %parallel_loop3A_252 = arith.constant 1.000000e-24 : f32
      %parallel_loop3A_253 = vector.broadcast %parallel_loop3A_252 : f32 to vector<16xf32>
      %parallel_loop3A_254 = arith.cmpf ogt, %parallel_loop3A_234, %parallel_loop3A_253 : vector<16xf32>
      %parallel_loop3A_255 = arith.constant 9.99999995E+11 : f32
      %parallel_loop3A_256 = vector.broadcast %parallel_loop3A_255 : f32 to vector<16xf32>
      %parallel_loop3A_257 = arith.select %parallel_loop3A_254, %parallel_loop3A_251, %parallel_loop3A_256 : vector<16xi1>, vector<16xf32>
      %parallel_loop3A_258 = arith.mulf %parallel_loop3A_169, %parallel_loop3A_257 : vector<16xf32>
      %parallel_loop3A_259 = arith.index_cast %parallel_loop3A_166 : i32 to index
      %parallel_loop3A_260 = arith.constant 0 : index
      %parallel_loop3A_261 = tpu.vector_load %arg6[%parallel_loop3A_259, %parallel_loop3A_260] {strides = array<i32>} : memref<512x128xf32, #tpu.memory_space<vmem>>, vector<16xf32>,
      tpu.vector_store %arg6[%parallel_loop3A_259, %parallel_loop3A_260], %parallel_loop3A_258 {strides = array<i32>} : memref<512x128xf32, #tpu.memory_space<vmem>>, vector<16xf32>,
      %parallel_loop3A_262 = arith.mulf %parallel_loop3A_172, %parallel_loop3A_257 : vector<16xf32>
      %parallel_loop3A_263 = arith.index_cast %parallel_loop3A_166 : i32 to index
      %parallel_loop3A_264 = arith.constant 16 : index
      %parallel_loop3A_265 = tpu.vector_load %arg6[%parallel_loop3A_263, %parallel_loop3A_264] {strides = array<i32>} : memref<512x128xf32, #tpu.memory_space<vmem>>, vector<16xf32>,
      tpu.vector_store %arg6[%parallel_loop3A_263, %parallel_loop3A_264], %parallel_loop3A_262 {strides = array<i32>} : memref<512x128xf32, #tpu.memory_space<vmem>>, vector<16xf32>,
      %parallel_loop3A_266 = arith.mulf %parallel_loop3A_175, %parallel_loop3A_257 : vector<16xf32>
      %parallel_loop3A_267 = arith.index_cast %parallel_loop3A_166 : i32 to index
      %parallel_loop3A_268 = arith.constant 32 : index
      %parallel_loop3A_269 = tpu.vector_load %arg6[%parallel_loop3A_267, %parallel_loop3A_268] {strides = array<i32>} : memref<512x128xf32, #tpu.memory_space<vmem>>, vector<16xf32>,
      tpu.vector_store %arg6[%parallel_loop3A_267, %parallel_loop3A_268], %parallel_loop3A_266 {strides = array<i32>} : memref<512x128xf32, #tpu.memory_space<vmem>>, vector<16xf32>,
      %parallel_loop3A_270 = arith.mulf %parallel_loop3A_178, %parallel_loop3A_257 : vector<16xf32>
      %parallel_loop3A_271 = arith.index_cast %parallel_loop3A_166 : i32 to index
      %parallel_loop3A_272 = arith.constant 48 : index
      %parallel_loop3A_273 = tpu.vector_load %arg6[%parallel_loop3A_271, %parallel_loop3A_272] {strides = array<i32>} : memref<512x128xf32, #tpu.memory_space<vmem>>, vector<16xf32>,
      tpu.vector_store %arg6[%parallel_loop3A_271, %parallel_loop3A_272], %parallel_loop3A_270 {strides = array<i32>} : memref<512x128xf32, #tpu.memory_space<vmem>>, vector<16xf32>,
      %parallel_loop3A_274 = arith.mulf %parallel_loop3A_181, %parallel_loop3A_257 : vector<16xf32>
      %parallel_loop3A_275 = arith.index_cast %parallel_loop3A_166 : i32 to index
      %parallel_loop3A_276 = arith.constant 64 : index
      %parallel_loop3A_277 = tpu.vector_load %arg6[%parallel_loop3A_275, %parallel_loop3A_276] {strides = array<i32>} : memref<512x128xf32, #tpu.memory_space<vmem>>, vector<16xf32>,
      tpu.vector_store %arg6[%parallel_loop3A_275, %parallel_loop3A_276], %parallel_loop3A_274 {strides = array<i32>} : memref<512x128xf32, #tpu.memory_space<vmem>>, vector<16xf32>,
      %parallel_loop3A_278 = arith.mulf %parallel_loop3A_184, %parallel_loop3A_257 : vector<16xf32>
      %parallel_loop3A_279 = arith.index_cast %parallel_loop3A_166 : i32 to index
      %parallel_loop3A_280 = arith.constant 80 : index
      %parallel_loop3A_281 = tpu.vector_load %arg6[%parallel_loop3A_279, %parallel_loop3A_280] {strides = array<i32>} : memref<512x128xf32, #tpu.memory_space<vmem>>, vector<16xf32>,
      tpu.vector_store %arg6[%parallel_loop3A_279, %parallel_loop3A_280], %parallel_loop3A_278 {strides = array<i32>} : memref<512x128xf32, #tpu.memory_space<vmem>>, vector<16xf32>,
      %parallel_loop3A_282 = arith.mulf %parallel_loop3A_187, %parallel_loop3A_257 : vector<16xf32>
      %parallel_loop3A_283 = arith.index_cast %parallel_loop3A_166 : i32 to index
      %parallel_loop3A_284 = arith.constant 96 : index
      %parallel_loop3A_285 = tpu.vector_load %arg6[%parallel_loop3A_283, %parallel_loop3A_284] {strides = array<i32>} : memref<512x128xf32, #tpu.memory_space<vmem>>, vector<16xf32>,
      tpu.vector_store %arg6[%parallel_loop3A_283, %parallel_loop3A_284], %parallel_loop3A_282 {strides = array<i32>} : memref<512x128xf32, #tpu.memory_space<vmem>>, vector<16xf32>,
      %parallel_loop3A_286 = arith.mulf %parallel_loop3A_190, %parallel_loop3A_257 : vector<16xf32>
      %parallel_loop3A_287 = arith.index_cast %parallel_loop3A_166 : i32 to index
      %parallel_loop3A_288 = arith.constant 112 : index
      %parallel_loop3A_289 = tpu.vector_load %arg6[%parallel_loop3A_287, %parallel_loop3A_288] {strides = array<i32>} : memref<512x128xf32, #tpu.memory_space<vmem>>, vector<16xf32>,
      tpu.vector_store %arg6[%parallel_loop3A_287, %parallel_loop3A_288], %parallel_loop3A_286 {strides = array<i32>} : memref<512x128xf32, #tpu.memory_space<vmem>>, vector<16xf32>,
    } {sc.loop_unroll_factor = 4 : i64, sc.parallel_access}
    %add3A_45 = arith.constant 0 : i32
    %add3A_46 = arith.addi %mul3A_2, %add3A_45 : i32
    %dma_start3A_47 = arith.constant 0 : i32
    %dma_start3A_48 = arith.constant 0 : i32
    %dma_start3A_49 = tpu.memref_slice %arg6[%dma_start3A_47, %dma_start3A_48] : memref<512x128xf32, #tpu.memory_space<vmem>> -> memref<128x128xf32, #tpu.memory_space<vmem>>
    %dma_start3A_50 = arith.constant 0 : i32
    %dma_start3A_51 = tpu.memref_slice %arg4[%add3A_46, %dma_start3A_50] : memref<16384x128xf32, #tpu.memory_space<hbm>> -> memref<128x128xf32, #tpu.memory_space<hbm>>
    %dma_start3A_52 = arith.constant 0 : i32
    %dma_start3A_53 = tpu.memref_slice %arg4[%add3A_46, %dma_start3A_52] : memref<16384x128xf32, #tpu.memory_space<hbm>> -> memref<128x128xf32, #tpu.memory_space<hbm>>
    %dma_start3A_54 = arith.constant 0 : i32
    %dma_start3A_55 = arith.constant 0 : i32
    %dma_start3A_56 = tpu.memref_slice %arg6[%dma_start3A_54, %dma_start3A_55] : memref<512x128xf32, #tpu.memory_space<vmem>> -> memref<128x128xf32, #tpu.memory_space<vmem>>
    tpu.enqueue_dma source(%dma_start3A_56 : memref<128x128xf32, #tpu.memory_space<vmem>>) target(%dma_start3A_53 : memref<128x128xf32, #tpu.memory_space<hbm>>) target_semaphore(%arg11 : memref<!tpu.dma_semaphore, #tpu.memory_space<semaphore_mem>>)
    %dma_wait3A_57 = arith.constant 128 : i32
    %dma_wait3A_58 = arith.constant 0 : i32
    %dma_wait3A_59 = tpu.memref_slice %arg6[%dma_wait3A_57, %dma_wait3A_58] : memref<512x128xf32, #tpu.memory_space<vmem>> -> memref<128x128xf32, #tpu.memory_space<vmem>>
    %dma_wait3A_60 = arith.constant 128 : i32
    %dma_wait3A_61 = tpu.memref_slice %arg5[%dma_wait3A_60] : memref<512xi32, #tpu.memory_space<vmem>> -> memref<128xi32, #tpu.memory_space<vmem>>
    %dma_wait3A_62 = arith.constant 0 : i32
    %dma_wait3A_63 = arith.constant 0 : i32
    %dma_wait3A_64 = tpu.memref_slice %arg3[%dma_wait3A_62, %dma_wait3A_63] : memref<100000x128xf32, #tpu.memory_space<hbm>> -> memref<100000x128xf32, #tpu.memory_space<hbm>>
    tpu.wait_indirect_dma semaphore(%arg8 : memref<!tpu.dma_semaphore, #tpu.memory_space<semaphore_mem>>) src(%dma_wait3A_64 : memref<100000x128xf32, #tpu.memory_space<hbm>>) dst(%dma_wait3A_59 : memref<128x128xf32, #tpu.memory_space<vmem>>)
    %parallel_loop3A_65 = arith.constant 128 : i32
    %parallel_loop3A_66 = arith.constant 256 : i32
    %parallel_loop3A_67 = arith.constant 1 : i32
    scf.for %parallel_loop3A_166 = %parallel_loop3A_65 to %parallel_loop3A_66 step %parallel_loop3A_67  : i32 {
      %parallel_loop3A_167 = arith.index_cast %parallel_loop3A_166 : i32 to index
      %parallel_loop3A_168 = arith.constant 0 : index
      %parallel_loop3A_169 = tpu.vector_load %arg6[%parallel_loop3A_167, %parallel_loop3A_168] {strides = array<i32>} : memref<512x128xf32, #tpu.memory_space<vmem>>, vector<16xf32>,
      %parallel_loop3A_170 = arith.index_cast %parallel_loop3A_166 : i32 to index
      %parallel_loop3A_171 = arith.constant 16 : index
      %parallel_loop3A_172 = tpu.vector_load %arg6[%parallel_loop3A_170, %parallel_loop3A_171] {strides = array<i32>} : memref<512x128xf32, #tpu.memory_space<vmem>>, vector<16xf32>,
      %parallel_loop3A_173 = arith.index_cast %parallel_loop3A_166 : i32 to index
      %parallel_loop3A_174 = arith.constant 32 : index
      %parallel_loop3A_175 = tpu.vector_load %arg6[%parallel_loop3A_173, %parallel_loop3A_174] {strides = array<i32>} : memref<512x128xf32, #tpu.memory_space<vmem>>, vector<16xf32>,
      %parallel_loop3A_176 = arith.index_cast %parallel_loop3A_166 : i32 to index
      %parallel_loop3A_177 = arith.constant 48 : index
      %parallel_loop3A_178 = tpu.vector_load %arg6[%parallel_loop3A_176, %parallel_loop3A_177] {strides = array<i32>} : memref<512x128xf32, #tpu.memory_space<vmem>>, vector<16xf32>,
      %parallel_loop3A_179 = arith.index_cast %parallel_loop3A_166 : i32 to index
      %parallel_loop3A_180 = arith.constant 64 : index
      %parallel_loop3A_181 = tpu.vector_load %arg6[%parallel_loop3A_179, %parallel_loop3A_180] {strides = array<i32>} : memref<512x128xf32, #tpu.memory_space<vmem>>, vector<16xf32>,
      %parallel_loop3A_182 = arith.index_cast %parallel_loop3A_166 : i32 to index
      %parallel_loop3A_183 = arith.constant 80 : index
      %parallel_loop3A_184 = tpu.vector_load %arg6[%parallel_loop3A_182, %parallel_loop3A_183] {strides = array<i32>} : memref<512x128xf32, #tpu.memory_space<vmem>>, vector<16xf32>,
      %parallel_loop3A_185 = arith.index_cast %parallel_loop3A_166 : i32 to index
      %parallel_loop3A_186 = arith.constant 96 : index
      %parallel_loop3A_187 = tpu.vector_load %arg6[%parallel_loop3A_185, %parallel_loop3A_186] {strides = array<i32>} : memref<512x128xf32, #tpu.memory_space<vmem>>, vector<16xf32>,
      %parallel_loop3A_188 = arith.index_cast %parallel_loop3A_166 : i32 to index
      %parallel_loop3A_189 = arith.constant 112 : index
      %parallel_loop3A_190 = tpu.vector_load %arg6[%parallel_loop3A_188, %parallel_loop3A_189] {strides = array<i32>} : memref<512x128xf32, #tpu.memory_space<vmem>>, vector<16xf32>,
      %parallel_loop3A_191 = arith.mulf %parallel_loop3A_169, %parallel_loop3A_169 : vector<16xf32>
      %parallel_loop3A_192 = arith.mulf %parallel_loop3A_172, %parallel_loop3A_172 : vector<16xf32>
      %parallel_loop3A_193 = arith.mulf %parallel_loop3A_175, %parallel_loop3A_175 : vector<16xf32>
      %parallel_loop3A_194 = arith.mulf %parallel_loop3A_178, %parallel_loop3A_178 : vector<16xf32>
      %parallel_loop3A_195 = arith.mulf %parallel_loop3A_181, %parallel_loop3A_181 : vector<16xf32>
      %parallel_loop3A_196 = arith.mulf %parallel_loop3A_184, %parallel_loop3A_184 : vector<16xf32>
      %parallel_loop3A_197 = arith.mulf %parallel_loop3A_187, %parallel_loop3A_187 : vector<16xf32>
      %parallel_loop3A_198 = arith.mulf %parallel_loop3A_190, %parallel_loop3A_190 : vector<16xf32>
      %parallel_loop3A_199 = arith.addf %parallel_loop3A_191, %parallel_loop3A_192 : vector<16xf32>
      %parallel_loop3A_200 = arith.addf %parallel_loop3A_193, %parallel_loop3A_194 : vector<16xf32>
      %parallel_loop3A_201 = arith.addf %parallel_loop3A_195, %parallel_loop3A_196 : vector<16xf32>
      %parallel_loop3A_202 = arith.addf %parallel_loop3A_197, %parallel_loop3A_198 : vector<16xf32>
      %parallel_loop3A_203 = arith.addf %parallel_loop3A_199, %parallel_loop3A_200 : vector<16xf32>
      %parallel_loop3A_204 = arith.addf %parallel_loop3A_201, %parallel_loop3A_202 : vector<16xf32>
      %parallel_loop3A_205 = arith.addf %parallel_loop3A_203, %parallel_loop3A_204 : vector<16xf32>
      %parallel_loop3A_206 = tpu.iota {dimensions = array<i32: 0>} : vector<16xi32>
      %parallel_loop3A_207 = arith.constant 8 : i32
      %parallel_loop3A_208 = vector.broadcast %parallel_loop3A_207 : i32 to vector<16xi32>
      %parallel_loop3A_209 = arith.xori %parallel_loop3A_206, %parallel_loop3A_208 : vector<16xi32>
      %parallel_loop3A_210 = vector.shape_cast %parallel_loop3A_209 : vector<16xi32> to vector<16x1xi32>
      %parallel_loop3A_211 = vector.shape_cast %parallel_loop3A_210 : vector<16x1xi32> to vector<16xi32>
      %parallel_loop3A_212 = tpu.dynamic_gather %parallel_loop3A_205[%parallel_loop3A_211] in [0] : vector<16xf32>, vector<16xi32> -> vector<16xf32>
      %parallel_loop3A_213 = arith.addf %parallel_loop3A_205, %parallel_loop3A_212 : vector<16xf32>
      %parallel_loop3A_214 = arith.constant 4 : i32
      %parallel_loop3A_215 = vector.broadcast %parallel_loop3A_214 : i32 to vector<16xi32>
      %parallel_loop3A_216 = arith.xori %parallel_loop3A_206, %parallel_loop3A_215 : vector<16xi32>
      %parallel_loop3A_217 = vector.shape_cast %parallel_loop3A_216 : vector<16xi32> to vector<16x1xi32>
      %parallel_loop3A_218 = vector.shape_cast %parallel_loop3A_217 : vector<16x1xi32> to vector<16xi32>
      %parallel_loop3A_219 = tpu.dynamic_gather %parallel_loop3A_213[%parallel_loop3A_218] in [0] : vector<16xf32>, vector<16xi32> -> vector<16xf32>
      %parallel_loop3A_220 = arith.addf %parallel_loop3A_213, %parallel_loop3A_219 : vector<16xf32>
      %parallel_loop3A_221 = arith.constant 2 : i32
      %parallel_loop3A_222 = vector.broadcast %parallel_loop3A_221 : i32 to vector<16xi32>
      %parallel_loop3A_223 = arith.xori %parallel_loop3A_206, %parallel_loop3A_222 : vector<16xi32>
      %parallel_loop3A_224 = vector.shape_cast %parallel_loop3A_223 : vector<16xi32> to vector<16x1xi32>
      %parallel_loop3A_225 = vector.shape_cast %parallel_loop3A_224 : vector<16x1xi32> to vector<16xi32>
      %parallel_loop3A_226 = tpu.dynamic_gather %parallel_loop3A_220[%parallel_loop3A_225] in [0] : vector<16xf32>, vector<16xi32> -> vector<16xf32>
      %parallel_loop3A_227 = arith.addf %parallel_loop3A_220, %parallel_loop3A_226 : vector<16xf32>
      %parallel_loop3A_228 = arith.constant 1 : i32
      %parallel_loop3A_229 = vector.broadcast %parallel_loop3A_228 : i32 to vector<16xi32>
      %parallel_loop3A_230 = arith.xori %parallel_loop3A_206, %parallel_loop3A_229 : vector<16xi32>
      %parallel_loop3A_231 = vector.shape_cast %parallel_loop3A_230 : vector<16xi32> to vector<16x1xi32>
      %parallel_loop3A_232 = vector.shape_cast %parallel_loop3A_231 : vector<16x1xi32> to vector<16xi32>
      %parallel_loop3A_233 = tpu.dynamic_gather %parallel_loop3A_227[%parallel_loop3A_232] in [0] : vector<16xf32>, vector<16xi32> -> vector<16xf32>
      %parallel_loop3A_234 = arith.addf %parallel_loop3A_227, %parallel_loop3A_233 : vector<16xf32>
      %parallel_loop3A_235 = vector.bitcast %parallel_loop3A_234 : vector<16xf32> to vector<16xi32>
      %parallel_loop3A_236 = arith.constant 1 : i32
      %parallel_loop3A_237 = vector.broadcast %parallel_loop3A_236 : i32 to vector<16xi32>
      %parallel_loop3A_238 = arith.shrui %parallel_loop3A_235, %parallel_loop3A_237 : vector<16xi32>
      %parallel_loop3A_239 = arith.constant 1597463007 : i32
      %parallel_loop3A_240 = vector.broadcast %parallel_loop3A_239 : i32 to vector<16xi32>
      %parallel_loop3A_241 = arith.subi %parallel_loop3A_240, %parallel_loop3A_238 : vector<16xi32>
      %parallel_loop3A_242 = vector.bitcast %parallel_loop3A_241 : vector<16xi32> to vector<16xf32>
      %parallel_loop3A_243 = arith.constant 5.000000e-01 : f32
      %parallel_loop3A_244 = vector.broadcast %parallel_loop3A_243 : f32 to vector<16xf32>
      %parallel_loop3A_245 = arith.mulf %parallel_loop3A_234, %parallel_loop3A_244 : vector<16xf32>
      %parallel_loop3A_246 = arith.mulf %parallel_loop3A_245, %parallel_loop3A_242 : vector<16xf32>
      %parallel_loop3A_247 = arith.mulf %parallel_loop3A_246, %parallel_loop3A_242 : vector<16xf32>
      %parallel_loop3A_248 = arith.constant 1.500000e+00 : f32
      %parallel_loop3A_249 = vector.broadcast %parallel_loop3A_248 : f32 to vector<16xf32>
      %parallel_loop3A_250 = arith.subf %parallel_loop3A_249, %parallel_loop3A_247 : vector<16xf32>
      %parallel_loop3A_251 = arith.mulf %parallel_loop3A_242, %parallel_loop3A_250 : vector<16xf32>
      %parallel_loop3A_252 = arith.constant 1.000000e-24 : f32
      %parallel_loop3A_253 = vector.broadcast %parallel_loop3A_252 : f32 to vector<16xf32>
      %parallel_loop3A_254 = arith.cmpf ogt, %parallel_loop3A_234, %parallel_loop3A_253 : vector<16xf32>
      %parallel_loop3A_255 = arith.constant 9.99999995E+11 : f32
      %parallel_loop3A_256 = vector.broadcast %parallel_loop3A_255 : f32 to vector<16xf32>
      %parallel_loop3A_257 = arith.select %parallel_loop3A_254, %parallel_loop3A_251, %parallel_loop3A_256 : vector<16xi1>, vector<16xf32>
      %parallel_loop3A_258 = arith.mulf %parallel_loop3A_169, %parallel_loop3A_257 : vector<16xf32>
      %parallel_loop3A_259 = arith.index_cast %parallel_loop3A_166 : i32 to index
      %parallel_loop3A_260 = arith.constant 0 : index
      %parallel_loop3A_261 = tpu.vector_load %arg6[%parallel_loop3A_259, %parallel_loop3A_260] {strides = array<i32>} : memref<512x128xf32, #tpu.memory_space<vmem>>, vector<16xf32>,
      tpu.vector_store %arg6[%parallel_loop3A_259, %parallel_loop3A_260], %parallel_loop3A_258 {strides = array<i32>} : memref<512x128xf32, #tpu.memory_space<vmem>>, vector<16xf32>,
      %parallel_loop3A_262 = arith.mulf %parallel_loop3A_172, %parallel_loop3A_257 : vector<16xf32>
      %parallel_loop3A_263 = arith.index_cast %parallel_loop3A_166 : i32 to index
      %parallel_loop3A_264 = arith.constant 16 : index
      %parallel_loop3A_265 = tpu.vector_load %arg6[%parallel_loop3A_263, %parallel_loop3A_264] {strides = array<i32>} : memref<512x128xf32, #tpu.memory_space<vmem>>, vector<16xf32>,
      tpu.vector_store %arg6[%parallel_loop3A_263, %parallel_loop3A_264], %parallel_loop3A_262 {strides = array<i32>} : memref<512x128xf32, #tpu.memory_space<vmem>>, vector<16xf32>,
      %parallel_loop3A_266 = arith.mulf %parallel_loop3A_175, %parallel_loop3A_257 : vector<16xf32>
      %parallel_loop3A_267 = arith.index_cast %parallel_loop3A_166 : i32 to index
      %parallel_loop3A_268 = arith.constant 32 : index
      %parallel_loop3A_269 = tpu.vector_load %arg6[%parallel_loop3A_267, %parallel_loop3A_268] {strides = array<i32>} : memref<512x128xf32, #tpu.memory_space<vmem>>, vector<16xf32>,
      tpu.vector_store %arg6[%parallel_loop3A_267, %parallel_loop3A_268], %parallel_loop3A_266 {strides = array<i32>} : memref<512x128xf32, #tpu.memory_space<vmem>>, vector<16xf32>,
      %parallel_loop3A_270 = arith.mulf %parallel_loop3A_178, %parallel_loop3A_257 : vector<16xf32>
      %parallel_loop3A_271 = arith.index_cast %parallel_loop3A_166 : i32 to index
      %parallel_loop3A_272 = arith.constant 48 : index
      %parallel_loop3A_273 = tpu.vector_load %arg6[%parallel_loop3A_271, %parallel_loop3A_272] {strides = array<i32>} : memref<512x128xf32, #tpu.memory_space<vmem>>, vector<16xf32>,
      tpu.vector_store %arg6[%parallel_loop3A_271, %parallel_loop3A_272], %parallel_loop3A_270 {strides = array<i32>} : memref<512x128xf32, #tpu.memory_space<vmem>>, vector<16xf32>,
      %parallel_loop3A_274 = arith.mulf %parallel_loop3A_181, %parallel_loop3A_257 : vector<16xf32>
      %parallel_loop3A_275 = arith.index_cast %parallel_loop3A_166 : i32 to index
      %parallel_loop3A_276 = arith.constant 64 : index
      %parallel_loop3A_277 = tpu.vector_load %arg6[%parallel_loop3A_275, %parallel_loop3A_276] {strides = array<i32>} : memref<512x128xf32, #tpu.memory_space<vmem>>, vector<16xf32>,
      tpu.vector_store %arg6[%parallel_loop3A_275, %parallel_loop3A_276], %parallel_loop3A_274 {strides = array<i32>} : memref<512x128xf32, #tpu.memory_space<vmem>>, vector<16xf32>,
      %parallel_loop3A_278 = arith.mulf %parallel_loop3A_184, %parallel_loop3A_257 : vector<16xf32>
      %parallel_loop3A_279 = arith.index_cast %parallel_loop3A_166 : i32 to index
      %parallel_loop3A_280 = arith.constant 80 : index
      %parallel_loop3A_281 = tpu.vector_load %arg6[%parallel_loop3A_279, %parallel_loop3A_280] {strides = array<i32>} : memref<512x128xf32, #tpu.memory_space<vmem>>, vector<16xf32>,
      tpu.vector_store %arg6[%parallel_loop3A_279, %parallel_loop3A_280], %parallel_loop3A_278 {strides = array<i32>} : memref<512x128xf32, #tpu.memory_space<vmem>>, vector<16xf32>,
      %parallel_loop3A_282 = arith.mulf %parallel_loop3A_187, %parallel_loop3A_257 : vector<16xf32>
      %parallel_loop3A_283 = arith.index_cast %parallel_loop3A_166 : i32 to index
      %parallel_loop3A_284 = arith.constant 96 : index
      %parallel_loop3A_285 = tpu.vector_load %arg6[%parallel_loop3A_283, %parallel_loop3A_284] {strides = array<i32>} : memref<512x128xf32, #tpu.memory_space<vmem>>, vector<16xf32>,
      tpu.vector_store %arg6[%parallel_loop3A_283, %parallel_loop3A_284], %parallel_loop3A_282 {strides = array<i32>} : memref<512x128xf32, #tpu.memory_space<vmem>>, vector<16xf32>,
      %parallel_loop3A_286 = arith.mulf %parallel_loop3A_190, %parallel_loop3A_257 : vector<16xf32>
      %parallel_loop3A_287 = arith.index_cast %parallel_loop3A_166 : i32 to index
      %parallel_loop3A_288 = arith.constant 112 : index
      %parallel_loop3A_289 = tpu.vector_load %arg6[%parallel_loop3A_287, %parallel_loop3A_288] {strides = array<i32>} : memref<512x128xf32, #tpu.memory_space<vmem>>, vector<16xf32>,
      tpu.vector_store %arg6[%parallel_loop3A_287, %parallel_loop3A_288], %parallel_loop3A_286 {strides = array<i32>} : memref<512x128xf32, #tpu.memory_space<vmem>>, vector<16xf32>,
    } {sc.loop_unroll_factor = 4 : i64, sc.parallel_access}
    %add3A_68 = arith.constant 128 : i32
    %add3A_69 = arith.addi %mul3A_2, %add3A_68 : i32
    %dma_start3A_70 = arith.constant 128 : i32
    %dma_start3A_71 = arith.constant 0 : i32
    %dma_start3A_72 = tpu.memref_slice %arg6[%dma_start3A_70, %dma_start3A_71] : memref<512x128xf32, #tpu.memory_space<vmem>> -> memref<128x128xf32, #tpu.memory_space<vmem>>
    %dma_start3A_73 = arith.constant 0 : i32
    %dma_start3A_74 = tpu.memref_slice %arg4[%add3A_69, %dma_start3A_73] : memref<16384x128xf32, #tpu.memory_space<hbm>> -> memref<128x128xf32, #tpu.memory_space<hbm>>
    %dma_start3A_75 = arith.constant 0 : i32
    %dma_start3A_76 = tpu.memref_slice %arg4[%add3A_69, %dma_start3A_75] : memref<16384x128xf32, #tpu.memory_space<hbm>> -> memref<128x128xf32, #tpu.memory_space<hbm>>
    %dma_start3A_77 = arith.constant 128 : i32
    %dma_start3A_78 = arith.constant 0 : i32
    %dma_start3A_79 = tpu.memref_slice %arg6[%dma_start3A_77, %dma_start3A_78] : memref<512x128xf32, #tpu.memory_space<vmem>> -> memref<128x128xf32, #tpu.memory_space<vmem>>
    tpu.enqueue_dma source(%dma_start3A_79 : memref<128x128xf32, #tpu.memory_space<vmem>>) target(%dma_start3A_76 : memref<128x128xf32, #tpu.memory_space<hbm>>) target_semaphore(%arg11 : memref<!tpu.dma_semaphore, #tpu.memory_space<semaphore_mem>>)
    %dma_wait3A_80 = arith.constant 256 : i32
    %dma_wait3A_81 = arith.constant 0 : i32
    %dma_wait3A_82 = tpu.memref_slice %arg6[%dma_wait3A_80, %dma_wait3A_81] : memref<512x128xf32, #tpu.memory_space<vmem>> -> memref<128x128xf32, #tpu.memory_space<vmem>>
    %dma_wait3A_83 = arith.constant 256 : i32
    %dma_wait3A_84 = tpu.memref_slice %arg5[%dma_wait3A_83] : memref<512xi32, #tpu.memory_space<vmem>> -> memref<128xi32, #tpu.memory_space<vmem>>
    %dma_wait3A_85 = arith.constant 0 : i32
    %dma_wait3A_86 = arith.constant 0 : i32
    %dma_wait3A_87 = tpu.memref_slice %arg3[%dma_wait3A_85, %dma_wait3A_86] : memref<100000x128xf32, #tpu.memory_space<hbm>> -> memref<100000x128xf32, #tpu.memory_space<hbm>>
    tpu.wait_indirect_dma semaphore(%arg9 : memref<!tpu.dma_semaphore, #tpu.memory_space<semaphore_mem>>) src(%dma_wait3A_87 : memref<100000x128xf32, #tpu.memory_space<hbm>>) dst(%dma_wait3A_82 : memref<128x128xf32, #tpu.memory_space<vmem>>)
    %parallel_loop3A_88 = arith.constant 256 : i32
    %parallel_loop3A_89 = arith.constant 384 : i32
    %parallel_loop3A_90 = arith.constant 1 : i32
    scf.for %parallel_loop3A_166 = %parallel_loop3A_88 to %parallel_loop3A_89 step %parallel_loop3A_90  : i32 {
      %parallel_loop3A_167 = arith.index_cast %parallel_loop3A_166 : i32 to index
      %parallel_loop3A_168 = arith.constant 0 : index
      %parallel_loop3A_169 = tpu.vector_load %arg6[%parallel_loop3A_167, %parallel_loop3A_168] {strides = array<i32>} : memref<512x128xf32, #tpu.memory_space<vmem>>, vector<16xf32>,
      %parallel_loop3A_170 = arith.index_cast %parallel_loop3A_166 : i32 to index
      %parallel_loop3A_171 = arith.constant 16 : index
      %parallel_loop3A_172 = tpu.vector_load %arg6[%parallel_loop3A_170, %parallel_loop3A_171] {strides = array<i32>} : memref<512x128xf32, #tpu.memory_space<vmem>>, vector<16xf32>,
      %parallel_loop3A_173 = arith.index_cast %parallel_loop3A_166 : i32 to index
      %parallel_loop3A_174 = arith.constant 32 : index
      %parallel_loop3A_175 = tpu.vector_load %arg6[%parallel_loop3A_173, %parallel_loop3A_174] {strides = array<i32>} : memref<512x128xf32, #tpu.memory_space<vmem>>, vector<16xf32>,
      %parallel_loop3A_176 = arith.index_cast %parallel_loop3A_166 : i32 to index
      %parallel_loop3A_177 = arith.constant 48 : index
      %parallel_loop3A_178 = tpu.vector_load %arg6[%parallel_loop3A_176, %parallel_loop3A_177] {strides = array<i32>} : memref<512x128xf32, #tpu.memory_space<vmem>>, vector<16xf32>,
      %parallel_loop3A_179 = arith.index_cast %parallel_loop3A_166 : i32 to index
      %parallel_loop3A_180 = arith.constant 64 : index
      %parallel_loop3A_181 = tpu.vector_load %arg6[%parallel_loop3A_179, %parallel_loop3A_180] {strides = array<i32>} : memref<512x128xf32, #tpu.memory_space<vmem>>, vector<16xf32>,
      %parallel_loop3A_182 = arith.index_cast %parallel_loop3A_166 : i32 to index
      %parallel_loop3A_183 = arith.constant 80 : index
      %parallel_loop3A_184 = tpu.vector_load %arg6[%parallel_loop3A_182, %parallel_loop3A_183] {strides = array<i32>} : memref<512x128xf32, #tpu.memory_space<vmem>>, vector<16xf32>,
      %parallel_loop3A_185 = arith.index_cast %parallel_loop3A_166 : i32 to index
      %parallel_loop3A_186 = arith.constant 96 : index
      %parallel_loop3A_187 = tpu.vector_load %arg6[%parallel_loop3A_185, %parallel_loop3A_186] {strides = array<i32>} : memref<512x128xf32, #tpu.memory_space<vmem>>, vector<16xf32>,
      %parallel_loop3A_188 = arith.index_cast %parallel_loop3A_166 : i32 to index
      %parallel_loop3A_189 = arith.constant 112 : index
      %parallel_loop3A_190 = tpu.vector_load %arg6[%parallel_loop3A_188, %parallel_loop3A_189] {strides = array<i32>} : memref<512x128xf32, #tpu.memory_space<vmem>>, vector<16xf32>,
      %parallel_loop3A_191 = arith.mulf %parallel_loop3A_169, %parallel_loop3A_169 : vector<16xf32>
      %parallel_loop3A_192 = arith.mulf %parallel_loop3A_172, %parallel_loop3A_172 : vector<16xf32>
      %parallel_loop3A_193 = arith.mulf %parallel_loop3A_175, %parallel_loop3A_175 : vector<16xf32>
      %parallel_loop3A_194 = arith.mulf %parallel_loop3A_178, %parallel_loop3A_178 : vector<16xf32>
      %parallel_loop3A_195 = arith.mulf %parallel_loop3A_181, %parallel_loop3A_181 : vector<16xf32>
      %parallel_loop3A_196 = arith.mulf %parallel_loop3A_184, %parallel_loop3A_184 : vector<16xf32>
      %parallel_loop3A_197 = arith.mulf %parallel_loop3A_187, %parallel_loop3A_187 : vector<16xf32>
      %parallel_loop3A_198 = arith.mulf %parallel_loop3A_190, %parallel_loop3A_190 : vector<16xf32>
      %parallel_loop3A_199 = arith.addf %parallel_loop3A_191, %parallel_loop3A_192 : vector<16xf32>
      %parallel_loop3A_200 = arith.addf %parallel_loop3A_193, %parallel_loop3A_194 : vector<16xf32>
      %parallel_loop3A_201 = arith.addf %parallel_loop3A_195, %parallel_loop3A_196 : vector<16xf32>
      %parallel_loop3A_202 = arith.addf %parallel_loop3A_197, %parallel_loop3A_198 : vector<16xf32>
      %parallel_loop3A_203 = arith.addf %parallel_loop3A_199, %parallel_loop3A_200 : vector<16xf32>
      %parallel_loop3A_204 = arith.addf %parallel_loop3A_201, %parallel_loop3A_202 : vector<16xf32>
      %parallel_loop3A_205 = arith.addf %parallel_loop3A_203, %parallel_loop3A_204 : vector<16xf32>
      %parallel_loop3A_206 = tpu.iota {dimensions = array<i32: 0>} : vector<16xi32>
      %parallel_loop3A_207 = arith.constant 8 : i32
      %parallel_loop3A_208 = vector.broadcast %parallel_loop3A_207 : i32 to vector<16xi32>
      %parallel_loop3A_209 = arith.xori %parallel_loop3A_206, %parallel_loop3A_208 : vector<16xi32>
      %parallel_loop3A_210 = vector.shape_cast %parallel_loop3A_209 : vector<16xi32> to vector<16x1xi32>
      %parallel_loop3A_211 = vector.shape_cast %parallel_loop3A_210 : vector<16x1xi32> to vector<16xi32>
      %parallel_loop3A_212 = tpu.dynamic_gather %parallel_loop3A_205[%parallel_loop3A_211] in [0] : vector<16xf32>, vector<16xi32> -> vector<16xf32>
      %parallel_loop3A_213 = arith.addf %parallel_loop3A_205, %parallel_loop3A_212 : vector<16xf32>
      %parallel_loop3A_214 = arith.constant 4 : i32
      %parallel_loop3A_215 = vector.broadcast %parallel_loop3A_214 : i32 to vector<16xi32>
      %parallel_loop3A_216 = arith.xori %parallel_loop3A_206, %parallel_loop3A_215 : vector<16xi32>
      %parallel_loop3A_217 = vector.shape_cast %parallel_loop3A_216 : vector<16xi32> to vector<16x1xi32>
      %parallel_loop3A_218 = vector.shape_cast %parallel_loop3A_217 : vector<16x1xi32> to vector<16xi32>
      %parallel_loop3A_219 = tpu.dynamic_gather %parallel_loop3A_213[%parallel_loop3A_218] in [0] : vector<16xf32>, vector<16xi32> -> vector<16xf32>
      %parallel_loop3A_220 = arith.addf %parallel_loop3A_213, %parallel_loop3A_219 : vector<16xf32>
      %parallel_loop3A_221 = arith.constant 2 : i32
      %parallel_loop3A_222 = vector.broadcast %parallel_loop3A_221 : i32 to vector<16xi32>
      %parallel_loop3A_223 = arith.xori %parallel_loop3A_206, %parallel_loop3A_222 : vector<16xi32>
      %parallel_loop3A_224 = vector.shape_cast %parallel_loop3A_223 : vector<16xi32> to vector<16x1xi32>
      %parallel_loop3A_225 = vector.shape_cast %parallel_loop3A_224 : vector<16x1xi32> to vector<16xi32>
      %parallel_loop3A_226 = tpu.dynamic_gather %parallel_loop3A_220[%parallel_loop3A_225] in [0] : vector<16xf32>, vector<16xi32> -> vector<16xf32>
      %parallel_loop3A_227 = arith.addf %parallel_loop3A_220, %parallel_loop3A_226 : vector<16xf32>
      %parallel_loop3A_228 = arith.constant 1 : i32
      %parallel_loop3A_229 = vector.broadcast %parallel_loop3A_228 : i32 to vector<16xi32>
      %parallel_loop3A_230 = arith.xori %parallel_loop3A_206, %parallel_loop3A_229 : vector<16xi32>
      %parallel_loop3A_231 = vector.shape_cast %parallel_loop3A_230 : vector<16xi32> to vector<16x1xi32>
      %parallel_loop3A_232 = vector.shape_cast %parallel_loop3A_231 : vector<16x1xi32> to vector<16xi32>
      %parallel_loop3A_233 = tpu.dynamic_gather %parallel_loop3A_227[%parallel_loop3A_232] in [0] : vector<16xf32>, vector<16xi32> -> vector<16xf32>
      %parallel_loop3A_234 = arith.addf %parallel_loop3A_227, %parallel_loop3A_233 : vector<16xf32>
      %parallel_loop3A_235 = vector.bitcast %parallel_loop3A_234 : vector<16xf32> to vector<16xi32>
      %parallel_loop3A_236 = arith.constant 1 : i32
      %parallel_loop3A_237 = vector.broadcast %parallel_loop3A_236 : i32 to vector<16xi32>
      %parallel_loop3A_238 = arith.shrui %parallel_loop3A_235, %parallel_loop3A_237 : vector<16xi32>
      %parallel_loop3A_239 = arith.constant 1597463007 : i32
      %parallel_loop3A_240 = vector.broadcast %parallel_loop3A_239 : i32 to vector<16xi32>
      %parallel_loop3A_241 = arith.subi %parallel_loop3A_240, %parallel_loop3A_238 : vector<16xi32>
      %parallel_loop3A_242 = vector.bitcast %parallel_loop3A_241 : vector<16xi32> to vector<16xf32>
      %parallel_loop3A_243 = arith.constant 5.000000e-01 : f32
      %parallel_loop3A_244 = vector.broadcast %parallel_loop3A_243 : f32 to vector<16xf32>
      %parallel_loop3A_245 = arith.mulf %parallel_loop3A_234, %parallel_loop3A_244 : vector<16xf32>
      %parallel_loop3A_246 = arith.mulf %parallel_loop3A_245, %parallel_loop3A_242 : vector<16xf32>
      %parallel_loop3A_247 = arith.mulf %parallel_loop3A_246, %parallel_loop3A_242 : vector<16xf32>
      %parallel_loop3A_248 = arith.constant 1.500000e+00 : f32
      %parallel_loop3A_249 = vector.broadcast %parallel_loop3A_248 : f32 to vector<16xf32>
      %parallel_loop3A_250 = arith.subf %parallel_loop3A_249, %parallel_loop3A_247 : vector<16xf32>
      %parallel_loop3A_251 = arith.mulf %parallel_loop3A_242, %parallel_loop3A_250 : vector<16xf32>
      %parallel_loop3A_252 = arith.constant 1.000000e-24 : f32
      %parallel_loop3A_253 = vector.broadcast %parallel_loop3A_252 : f32 to vector<16xf32>
      %parallel_loop3A_254 = arith.cmpf ogt, %parallel_loop3A_234, %parallel_loop3A_253 : vector<16xf32>
      %parallel_loop3A_255 = arith.constant 9.99999995E+11 : f32
      %parallel_loop3A_256 = vector.broadcast %parallel_loop3A_255 : f32 to vector<16xf32>
      %parallel_loop3A_257 = arith.select %parallel_loop3A_254, %parallel_loop3A_251, %parallel_loop3A_256 : vector<16xi1>, vector<16xf32>
      %parallel_loop3A_258 = arith.mulf %parallel_loop3A_169, %parallel_loop3A_257 : vector<16xf32>
      %parallel_loop3A_259 = arith.index_cast %parallel_loop3A_166 : i32 to index
      %parallel_loop3A_260 = arith.constant 0 : index
      %parallel_loop3A_261 = tpu.vector_load %arg6[%parallel_loop3A_259, %parallel_loop3A_260] {strides = array<i32>} : memref<512x128xf32, #tpu.memory_space<vmem>>, vector<16xf32>,
      tpu.vector_store %arg6[%parallel_loop3A_259, %parallel_loop3A_260], %parallel_loop3A_258 {strides = array<i32>} : memref<512x128xf32, #tpu.memory_space<vmem>>, vector<16xf32>,
      %parallel_loop3A_262 = arith.mulf %parallel_loop3A_172, %parallel_loop3A_257 : vector<16xf32>
      %parallel_loop3A_263 = arith.index_cast %parallel_loop3A_166 : i32 to index
      %parallel_loop3A_264 = arith.constant 16 : index
      %parallel_loop3A_265 = tpu.vector_load %arg6[%parallel_loop3A_263, %parallel_loop3A_264] {strides = array<i32>} : memref<512x128xf32, #tpu.memory_space<vmem>>, vector<16xf32>,
      tpu.vector_store %arg6[%parallel_loop3A_263, %parallel_loop3A_264], %parallel_loop3A_262 {strides = array<i32>} : memref<512x128xf32, #tpu.memory_space<vmem>>, vector<16xf32>,
      %parallel_loop3A_266 = arith.mulf %parallel_loop3A_175, %parallel_loop3A_257 : vector<16xf32>
      %parallel_loop3A_267 = arith.index_cast %parallel_loop3A_166 : i32 to index
      %parallel_loop3A_268 = arith.constant 32 : index
      %parallel_loop3A_269 = tpu.vector_load %arg6[%parallel_loop3A_267, %parallel_loop3A_268] {strides = array<i32>} : memref<512x128xf32, #tpu.memory_space<vmem>>, vector<16xf32>,
      tpu.vector_store %arg6[%parallel_loop3A_267, %parallel_loop3A_268], %parallel_loop3A_266 {strides = array<i32>} : memref<512x128xf32, #tpu.memory_space<vmem>>, vector<16xf32>,
      %parallel_loop3A_270 = arith.mulf %parallel_loop3A_178, %parallel_loop3A_257 : vector<16xf32>
      %parallel_loop3A_271 = arith.index_cast %parallel_loop3A_166 : i32 to index
      %parallel_loop3A_272 = arith.constant 48 : index
      %parallel_loop3A_273 = tpu.vector_load %arg6[%parallel_loop3A_271, %parallel_loop3A_272] {strides = array<i32>} : memref<512x128xf32, #tpu.memory_space<vmem>>, vector<16xf32>,
      tpu.vector_store %arg6[%parallel_loop3A_271, %parallel_loop3A_272], %parallel_loop3A_270 {strides = array<i32>} : memref<512x128xf32, #tpu.memory_space<vmem>>, vector<16xf32>,
      %parallel_loop3A_274 = arith.mulf %parallel_loop3A_181, %parallel_loop3A_257 : vector<16xf32>
      %parallel_loop3A_275 = arith.index_cast %parallel_loop3A_166 : i32 to index
      %parallel_loop3A_276 = arith.constant 64 : index
      %parallel_loop3A_277 = tpu.vector_load %arg6[%parallel_loop3A_275, %parallel_loop3A_276] {strides = array<i32>} : memref<512x128xf32, #tpu.memory_space<vmem>>, vector<16xf32>,
      tpu.vector_store %arg6[%parallel_loop3A_275, %parallel_loop3A_276], %parallel_loop3A_274 {strides = array<i32>} : memref<512x128xf32, #tpu.memory_space<vmem>>, vector<16xf32>,
      %parallel_loop3A_278 = arith.mulf %parallel_loop3A_184, %parallel_loop3A_257 : vector<16xf32>
      %parallel_loop3A_279 = arith.index_cast %parallel_loop3A_166 : i32 to index
      %parallel_loop3A_280 = arith.constant 80 : index
      %parallel_loop3A_281 = tpu.vector_load %arg6[%parallel_loop3A_279, %parallel_loop3A_280] {strides = array<i32>} : memref<512x128xf32, #tpu.memory_space<vmem>>, vector<16xf32>,
      tpu.vector_store %arg6[%parallel_loop3A_279, %parallel_loop3A_280], %parallel_loop3A_278 {strides = array<i32>} : memref<512x128xf32, #tpu.memory_space<vmem>>, vector<16xf32>,
      %parallel_loop3A_282 = arith.mulf %parallel_loop3A_187, %parallel_loop3A_257 : vector<16xf32>
      %parallel_loop3A_283 = arith.index_cast %parallel_loop3A_166 : i32 to index
      %parallel_loop3A_284 = arith.constant 96 : index
      %parallel_loop3A_285 = tpu.vector_load %arg6[%parallel_loop3A_283, %parallel_loop3A_284] {strides = array<i32>} : memref<512x128xf32, #tpu.memory_space<vmem>>, vector<16xf32>,
      tpu.vector_store %arg6[%parallel_loop3A_283, %parallel_loop3A_284], %parallel_loop3A_282 {strides = array<i32>} : memref<512x128xf32, #tpu.memory_space<vmem>>, vector<16xf32>,
      %parallel_loop3A_286 = arith.mulf %parallel_loop3A_190, %parallel_loop3A_257 : vector<16xf32>
      %parallel_loop3A_287 = arith.index_cast %parallel_loop3A_166 : i32 to index
      %parallel_loop3A_288 = arith.constant 112 : index
      %parallel_loop3A_289 = tpu.vector_load %arg6[%parallel_loop3A_287, %parallel_loop3A_288] {strides = array<i32>} : memref<512x128xf32, #tpu.memory_space<vmem>>, vector<16xf32>,
      tpu.vector_store %arg6[%parallel_loop3A_287, %parallel_loop3A_288], %parallel_loop3A_286 {strides = array<i32>} : memref<512x128xf32, #tpu.memory_space<vmem>>, vector<16xf32>,
    } {sc.loop_unroll_factor = 4 : i64, sc.parallel_access}
    %add3A_91 = arith.constant 256 : i32
    %add3A_92 = arith.addi %mul3A_2, %add3A_91 : i32
    %dma_start3A_93 = arith.constant 256 : i32
    %dma_start3A_94 = arith.constant 0 : i32
    %dma_start3A_95 = tpu.memref_slice %arg6[%dma_start3A_93, %dma_start3A_94] : memref<512x128xf32, #tpu.memory_space<vmem>> -> memref<128x128xf32, #tpu.memory_space<vmem>>
    %dma_start3A_96 = arith.constant 0 : i32
    %dma_start3A_97 = tpu.memref_slice %arg4[%add3A_92, %dma_start3A_96] : memref<16384x128xf32, #tpu.memory_space<hbm>> -> memref<128x128xf32, #tpu.memory_space<hbm>>
    %dma_start3A_98 = arith.constant 0 : i32
    %dma_start3A_99 = tpu.memref_slice %arg4[%add3A_92, %dma_start3A_98] : memref<16384x128xf32, #tpu.memory_space<hbm>> -> memref<128x128xf32, #tpu.memory_space<hbm>>
    %dma_start3A_100 = arith.constant 256 : i32
    %dma_start3A_101 = arith.constant 0 : i32
    %dma_start3A_102 = tpu.memref_slice %arg6[%dma_start3A_100, %dma_start3A_101] : memref<512x128xf32, #tpu.memory_space<vmem>> -> memref<128x128xf32, #tpu.memory_space<vmem>>
    tpu.enqueue_dma source(%dma_start3A_102 : memref<128x128xf32, #tpu.memory_space<vmem>>) target(%dma_start3A_99 : memref<128x128xf32, #tpu.memory_space<hbm>>) target_semaphore(%arg11 : memref<!tpu.dma_semaphore, #tpu.memory_space<semaphore_mem>>)
    %dma_wait3A_103 = arith.constant 384 : i32
    %dma_wait3A_104 = arith.constant 0 : i32
    %dma_wait3A_105 = tpu.memref_slice %arg6[%dma_wait3A_103, %dma_wait3A_104] : memref<512x128xf32, #tpu.memory_space<vmem>> -> memref<128x128xf32, #tpu.memory_space<vmem>>
    %dma_wait3A_106 = arith.constant 384 : i32
    %dma_wait3A_107 = tpu.memref_slice %arg5[%dma_wait3A_106] : memref<512xi32, #tpu.memory_space<vmem>> -> memref<128xi32, #tpu.memory_space<vmem>>
    %dma_wait3A_108 = arith.constant 0 : i32
    %dma_wait3A_109 = arith.constant 0 : i32
    %dma_wait3A_110 = tpu.memref_slice %arg3[%dma_wait3A_108, %dma_wait3A_109] : memref<100000x128xf32, #tpu.memory_space<hbm>> -> memref<100000x128xf32, #tpu.memory_space<hbm>>
    tpu.wait_indirect_dma semaphore(%arg10 : memref<!tpu.dma_semaphore, #tpu.memory_space<semaphore_mem>>) src(%dma_wait3A_110 : memref<100000x128xf32, #tpu.memory_space<hbm>>) dst(%dma_wait3A_105 : memref<128x128xf32, #tpu.memory_space<vmem>>)
    %parallel_loop3A_111 = arith.constant 384 : i32
    %parallel_loop3A_112 = arith.constant 512 : i32
    %parallel_loop3A_113 = arith.constant 1 : i32
    scf.for %parallel_loop3A_166 = %parallel_loop3A_111 to %parallel_loop3A_112 step %parallel_loop3A_113  : i32 {
      %parallel_loop3A_167 = arith.index_cast %parallel_loop3A_166 : i32 to index
      %parallel_loop3A_168 = arith.constant 0 : index
      %parallel_loop3A_169 = tpu.vector_load %arg6[%parallel_loop3A_167, %parallel_loop3A_168] {strides = array<i32>} : memref<512x128xf32, #tpu.memory_space<vmem>>, vector<16xf32>,
      %parallel_loop3A_170 = arith.index_cast %parallel_loop3A_166 : i32 to index
      %parallel_loop3A_171 = arith.constant 16 : index
      %parallel_loop3A_172 = tpu.vector_load %arg6[%parallel_loop3A_170, %parallel_loop3A_171] {strides = array<i32>} : memref<512x128xf32, #tpu.memory_space<vmem>>, vector<16xf32>,
      %parallel_loop3A_173 = arith.index_cast %parallel_loop3A_166 : i32 to index
      %parallel_loop3A_174 = arith.constant 32 : index
      %parallel_loop3A_175 = tpu.vector_load %arg6[%parallel_loop3A_173, %parallel_loop3A_174] {strides = array<i32>} : memref<512x128xf32, #tpu.memory_space<vmem>>, vector<16xf32>,
      %parallel_loop3A_176 = arith.index_cast %parallel_loop3A_166 : i32 to index
      %parallel_loop3A_177 = arith.constant 48 : index
      %parallel_loop3A_178 = tpu.vector_load %arg6[%parallel_loop3A_176, %parallel_loop3A_177] {strides = array<i32>} : memref<512x128xf32, #tpu.memory_space<vmem>>, vector<16xf32>,
      %parallel_loop3A_179 = arith.index_cast %parallel_loop3A_166 : i32 to index
      %parallel_loop3A_180 = arith.constant 64 : index
      %parallel_loop3A_181 = tpu.vector_load %arg6[%parallel_loop3A_179, %parallel_loop3A_180] {strides = array<i32>} : memref<512x128xf32, #tpu.memory_space<vmem>>, vector<16xf32>,
      %parallel_loop3A_182 = arith.index_cast %parallel_loop3A_166 : i32 to index
      %parallel_loop3A_183 = arith.constant 80 : index
      %parallel_loop3A_184 = tpu.vector_load %arg6[%parallel_loop3A_182, %parallel_loop3A_183] {strides = array<i32>} : memref<512x128xf32, #tpu.memory_space<vmem>>, vector<16xf32>,
      %parallel_loop3A_185 = arith.index_cast %parallel_loop3A_166 : i32 to index
      %parallel_loop3A_186 = arith.constant 96 : index
      %parallel_loop3A_187 = tpu.vector_load %arg6[%parallel_loop3A_185, %parallel_loop3A_186] {strides = array<i32>} : memref<512x128xf32, #tpu.memory_space<vmem>>, vector<16xf32>,
      %parallel_loop3A_188 = arith.index_cast %parallel_loop3A_166 : i32 to index
      %parallel_loop3A_189 = arith.constant 112 : index
      %parallel_loop3A_190 = tpu.vector_load %arg6[%parallel_loop3A_188, %parallel_loop3A_189] {strides = array<i32>} : memref<512x128xf32, #tpu.memory_space<vmem>>, vector<16xf32>,
      %parallel_loop3A_191 = arith.mulf %parallel_loop3A_169, %parallel_loop3A_169 : vector<16xf32>
      %parallel_loop3A_192 = arith.mulf %parallel_loop3A_172, %parallel_loop3A_172 : vector<16xf32>
      %parallel_loop3A_193 = arith.mulf %parallel_loop3A_175, %parallel_loop3A_175 : vector<16xf32>
      %parallel_loop3A_194 = arith.mulf %parallel_loop3A_178, %parallel_loop3A_178 : vector<16xf32>
      %parallel_loop3A_195 = arith.mulf %parallel_loop3A_181, %parallel_loop3A_181 : vector<16xf32>
      %parallel_loop3A_196 = arith.mulf %parallel_loop3A_184, %parallel_loop3A_184 : vector<16xf32>
      %parallel_loop3A_197 = arith.mulf %parallel_loop3A_187, %parallel_loop3A_187 : vector<16xf32>
      %parallel_loop3A_198 = arith.mulf %parallel_loop3A_190, %parallel_loop3A_190 : vector<16xf32>
      %parallel_loop3A_199 = arith.addf %parallel_loop3A_191, %parallel_loop3A_192 : vector<16xf32>
      %parallel_loop3A_200 = arith.addf %parallel_loop3A_193, %parallel_loop3A_194 : vector<16xf32>
      %parallel_loop3A_201 = arith.addf %parallel_loop3A_195, %parallel_loop3A_196 : vector<16xf32>
      %parallel_loop3A_202 = arith.addf %parallel_loop3A_197, %parallel_loop3A_198 : vector<16xf32>
      %parallel_loop3A_203 = arith.addf %parallel_loop3A_199, %parallel_loop3A_200 : vector<16xf32>
      %parallel_loop3A_204 = arith.addf %parallel_loop3A_201, %parallel_loop3A_202 : vector<16xf32>
      %parallel_loop3A_205 = arith.addf %parallel_loop3A_203, %parallel_loop3A_204 : vector<16xf32>
      %parallel_loop3A_206 = tpu.iota {dimensions = array<i32: 0>} : vector<16xi32>
      %parallel_loop3A_207 = arith.constant 8 : i32
      %parallel_loop3A_208 = vector.broadcast %parallel_loop3A_207 : i32 to vector<16xi32>
      %parallel_loop3A_209 = arith.xori %parallel_loop3A_206, %parallel_loop3A_208 : vector<16xi32>
      %parallel_loop3A_210 = vector.shape_cast %parallel_loop3A_209 : vector<16xi32> to vector<16x1xi32>
      %parallel_loop3A_211 = vector.shape_cast %parallel_loop3A_210 : vector<16x1xi32> to vector<16xi32>
      %parallel_loop3A_212 = tpu.dynamic_gather %parallel_loop3A_205[%parallel_loop3A_211] in [0] : vector<16xf32>, vector<16xi32> -> vector<16xf32>
      %parallel_loop3A_213 = arith.addf %parallel_loop3A_205, %parallel_loop3A_212 : vector<16xf32>
      %parallel_loop3A_214 = arith.constant 4 : i32
      %parallel_loop3A_215 = vector.broadcast %parallel_loop3A_214 : i32 to vector<16xi32>
      %parallel_loop3A_216 = arith.xori %parallel_loop3A_206, %parallel_loop3A_215 : vector<16xi32>
      %parallel_loop3A_217 = vector.shape_cast %parallel_loop3A_216 : vector<16xi32> to vector<16x1xi32>
      %parallel_loop3A_218 = vector.shape_cast %parallel_loop3A_217 : vector<16x1xi32> to vector<16xi32>
      %parallel_loop3A_219 = tpu.dynamic_gather %parallel_loop3A_213[%parallel_loop3A_218] in [0] : vector<16xf32>, vector<16xi32> -> vector<16xf32>
      %parallel_loop3A_220 = arith.addf %parallel_loop3A_213, %parallel_loop3A_219 : vector<16xf32>
      %parallel_loop3A_221 = arith.constant 2 : i32
      %parallel_loop3A_222 = vector.broadcast %parallel_loop3A_221 : i32 to vector<16xi32>
      %parallel_loop3A_223 = arith.xori %parallel_loop3A_206, %parallel_loop3A_222 : vector<16xi32>
      %parallel_loop3A_224 = vector.shape_cast %parallel_loop3A_223 : vector<16xi32> to vector<16x1xi32>
      %parallel_loop3A_225 = vector.shape_cast %parallel_loop3A_224 : vector<16x1xi32> to vector<16xi32>
      %parallel_loop3A_226 = tpu.dynamic_gather %parallel_loop3A_220[%parallel_loop3A_225] in [0] : vector<16xf32>, vector<16xi32> -> vector<16xf32>
      %parallel_loop3A_227 = arith.addf %parallel_loop3A_220, %parallel_loop3A_226 : vector<16xf32>
      %parallel_loop3A_228 = arith.constant 1 : i32
      %parallel_loop3A_229 = vector.broadcast %parallel_loop3A_228 : i32 to vector<16xi32>
      %parallel_loop3A_230 = arith.xori %parallel_loop3A_206, %parallel_loop3A_229 : vector<16xi32>
      %parallel_loop3A_231 = vector.shape_cast %parallel_loop3A_230 : vector<16xi32> to vector<16x1xi32>
      %parallel_loop3A_232 = vector.shape_cast %parallel_loop3A_231 : vector<16x1xi32> to vector<16xi32>
      %parallel_loop3A_233 = tpu.dynamic_gather %parallel_loop3A_227[%parallel_loop3A_232] in [0] : vector<16xf32>, vector<16xi32> -> vector<16xf32>
      %parallel_loop3A_234 = arith.addf %parallel_loop3A_227, %parallel_loop3A_233 : vector<16xf32>
      %parallel_loop3A_235 = vector.bitcast %parallel_loop3A_234 : vector<16xf32> to vector<16xi32>
      %parallel_loop3A_236 = arith.constant 1 : i32
      %parallel_loop3A_237 = vector.broadcast %parallel_loop3A_236 : i32 to vector<16xi32>
      %parallel_loop3A_238 = arith.shrui %parallel_loop3A_235, %parallel_loop3A_237 : vector<16xi32>
      %parallel_loop3A_239 = arith.constant 1597463007 : i32
      %parallel_loop3A_240 = vector.broadcast %parallel_loop3A_239 : i32 to vector<16xi32>
      %parallel_loop3A_241 = arith.subi %parallel_loop3A_240, %parallel_loop3A_238 : vector<16xi32>
      %parallel_loop3A_242 = vector.bitcast %parallel_loop3A_241 : vector<16xi32> to vector<16xf32>
      %parallel_loop3A_243 = arith.constant 5.000000e-01 : f32
      %parallel_loop3A_244 = vector.broadcast %parallel_loop3A_243 : f32 to vector<16xf32>
      %parallel_loop3A_245 = arith.mulf %parallel_loop3A_234, %parallel_loop3A_244 : vector<16xf32>
      %parallel_loop3A_246 = arith.mulf %parallel_loop3A_245, %parallel_loop3A_242 : vector<16xf32>
      %parallel_loop3A_247 = arith.mulf %parallel_loop3A_246, %parallel_loop3A_242 : vector<16xf32>
      %parallel_loop3A_248 = arith.constant 1.500000e+00 : f32
      %parallel_loop3A_249 = vector.broadcast %parallel_loop3A_248 : f32 to vector<16xf32>
      %parallel_loop3A_250 = arith.subf %parallel_loop3A_249, %parallel_loop3A_247 : vector<16xf32>
      %parallel_loop3A_251 = arith.mulf %parallel_loop3A_242, %parallel_loop3A_250 : vector<16xf32>
      %parallel_loop3A_252 = arith.constant 1.000000e-24 : f32
      %parallel_loop3A_253 = vector.broadcast %parallel_loop3A_252 : f32 to vector<16xf32>
      %parallel_loop3A_254 = arith.cmpf ogt, %parallel_loop3A_234, %parallel_loop3A_253 : vector<16xf32>
      %parallel_loop3A_255 = arith.constant 9.99999995E+11 : f32
      %parallel_loop3A_256 = vector.broadcast %parallel_loop3A_255 : f32 to vector<16xf32>
      %parallel_loop3A_257 = arith.select %parallel_loop3A_254, %parallel_loop3A_251, %parallel_loop3A_256 : vector<16xi1>, vector<16xf32>
      %parallel_loop3A_258 = arith.mulf %parallel_loop3A_169, %parallel_loop3A_257 : vector<16xf32>
      %parallel_loop3A_259 = arith.index_cast %parallel_loop3A_166 : i32 to index
      %parallel_loop3A_260 = arith.constant 0 : index
      %parallel_loop3A_261 = tpu.vector_load %arg6[%parallel_loop3A_259, %parallel_loop3A_260] {strides = array<i32>} : memref<512x128xf32, #tpu.memory_space<vmem>>, vector<16xf32>,
      tpu.vector_store %arg6[%parallel_loop3A_259, %parallel_loop3A_260], %parallel_loop3A_258 {strides = array<i32>} : memref<512x128xf32, #tpu.memory_space<vmem>>, vector<16xf32>,
      %parallel_loop3A_262 = arith.mulf %parallel_loop3A_172, %parallel_loop3A_257 : vector<16xf32>
      %parallel_loop3A_263 = arith.index_cast %parallel_loop3A_166 : i32 to index
      %parallel_loop3A_264 = arith.constant 16 : index
      %parallel_loop3A_265 = tpu.vector_load %arg6[%parallel_loop3A_263, %parallel_loop3A_264] {strides = array<i32>} : memref<512x128xf32, #tpu.memory_space<vmem>>, vector<16xf32>,
      tpu.vector_store %arg6[%parallel_loop3A_263, %parallel_loop3A_264], %parallel_loop3A_262 {strides = array<i32>} : memref<512x128xf32, #tpu.memory_space<vmem>>, vector<16xf32>,
      %parallel_loop3A_266 = arith.mulf %parallel_loop3A_175, %parallel_loop3A_257 : vector<16xf32>
      %parallel_loop3A_267 = arith.index_cast %parallel_loop3A_166 : i32 to index
      %parallel_loop3A_268 = arith.constant 32 : index
      %parallel_loop3A_269 = tpu.vector_load %arg6[%parallel_loop3A_267, %parallel_loop3A_268] {strides = array<i32>} : memref<512x128xf32, #tpu.memory_space<vmem>>, vector<16xf32>,
      tpu.vector_store %arg6[%parallel_loop3A_267, %parallel_loop3A_268], %parallel_loop3A_266 {strides = array<i32>} : memref<512x128xf32, #tpu.memory_space<vmem>>, vector<16xf32>,
      %parallel_loop3A_270 = arith.mulf %parallel_loop3A_178, %parallel_loop3A_257 : vector<16xf32>
      %parallel_loop3A_271 = arith.index_cast %parallel_loop3A_166 : i32 to index
      %parallel_loop3A_272 = arith.constant 48 : index
      %parallel_loop3A_273 = tpu.vector_load %arg6[%parallel_loop3A_271, %parallel_loop3A_272] {strides = array<i32>} : memref<512x128xf32, #tpu.memory_space<vmem>>, vector<16xf32>,
      tpu.vector_store %arg6[%parallel_loop3A_271, %parallel_loop3A_272], %parallel_loop3A_270 {strides = array<i32>} : memref<512x128xf32, #tpu.memory_space<vmem>>, vector<16xf32>,
      %parallel_loop3A_274 = arith.mulf %parallel_loop3A_181, %parallel_loop3A_257 : vector<16xf32>
      %parallel_loop3A_275 = arith.index_cast %parallel_loop3A_166 : i32 to index
      %parallel_loop3A_276 = arith.constant 64 : index
      %parallel_loop3A_277 = tpu.vector_load %arg6[%parallel_loop3A_275, %parallel_loop3A_276] {strides = array<i32>} : memref<512x128xf32, #tpu.memory_space<vmem>>, vector<16xf32>,
      tpu.vector_store %arg6[%parallel_loop3A_275, %parallel_loop3A_276], %parallel_loop3A_274 {strides = array<i32>} : memref<512x128xf32, #tpu.memory_space<vmem>>, vector<16xf32>,
      %parallel_loop3A_278 = arith.mulf %parallel_loop3A_184, %parallel_loop3A_257 : vector<16xf32>
      %parallel_loop3A_279 = arith.index_cast %parallel_loop3A_166 : i32 to index
      %parallel_loop3A_280 = arith.constant 80 : index
      %parallel_loop3A_281 = tpu.vector_load %arg6[%parallel_loop3A_279, %parallel_loop3A_280] {strides = array<i32>} : memref<512x128xf32, #tpu.memory_space<vmem>>, vector<16xf32>,
      tpu.vector_store %arg6[%parallel_loop3A_279, %parallel_loop3A_280], %parallel_loop3A_278 {strides = array<i32>} : memref<512x128xf32, #tpu.memory_space<vmem>>, vector<16xf32>,
      %parallel_loop3A_282 = arith.mulf %parallel_loop3A_187, %parallel_loop3A_257 : vector<16xf32>
      %parallel_loop3A_283 = arith.index_cast %parallel_loop3A_166 : i32 to index
      %parallel_loop3A_284 = arith.constant 96 : index
      %parallel_loop3A_285 = tpu.vector_load %arg6[%parallel_loop3A_283, %parallel_loop3A_284] {strides = array<i32>} : memref<512x128xf32, #tpu.memory_space<vmem>>, vector<16xf32>,
      tpu.vector_store %arg6[%parallel_loop3A_283, %parallel_loop3A_284], %parallel_loop3A_282 {strides = array<i32>} : memref<512x128xf32, #tpu.memory_space<vmem>>, vector<16xf32>,
      %parallel_loop3A_286 = arith.mulf %parallel_loop3A_190, %parallel_loop3A_257 : vector<16xf32>
      %parallel_loop3A_287 = arith.index_cast %parallel_loop3A_166 : i32 to index
      %parallel_loop3A_288 = arith.constant 112 : index
      %parallel_loop3A_289 = tpu.vector_load %arg6[%parallel_loop3A_287, %parallel_loop3A_288] {strides = array<i32>} : memref<512x128xf32, #tpu.memory_space<vmem>>, vector<16xf32>,
      tpu.vector_store %arg6[%parallel_loop3A_287, %parallel_loop3A_288], %parallel_loop3A_286 {strides = array<i32>} : memref<512x128xf32, #tpu.memory_space<vmem>>, vector<16xf32>,
    } {sc.loop_unroll_factor = 4 : i64, sc.parallel_access}
    %add3A_114 = arith.constant 384 : i32
    %add3A_115 = arith.addi %mul3A_2, %add3A_114 : i32
    %dma_start3A_116 = arith.constant 384 : i32
    %dma_start3A_117 = arith.constant 0 : i32
    %dma_start3A_118 = tpu.memref_slice %arg6[%dma_start3A_116, %dma_start3A_117] : memref<512x128xf32, #tpu.memory_space<vmem>> -> memref<128x128xf32, #tpu.memory_space<vmem>>
    %dma_start3A_119 = arith.constant 0 : i32
    %dma_start3A_120 = tpu.memref_slice %arg4[%add3A_115, %dma_start3A_119] : memref<16384x128xf32, #tpu.memory_space<hbm>> -> memref<128x128xf32, #tpu.memory_space<hbm>>
    %dma_start3A_121 = arith.constant 0 : i32
    %dma_start3A_122 = tpu.memref_slice %arg4[%add3A_115, %dma_start3A_121] : memref<16384x128xf32, #tpu.memory_space<hbm>> -> memref<128x128xf32, #tpu.memory_space<hbm>>
    %dma_start3A_123 = arith.constant 384 : i32
    %dma_start3A_124 = arith.constant 0 : i32
    %dma_start3A_125 = tpu.memref_slice %arg6[%dma_start3A_123, %dma_start3A_124] : memref<512x128xf32, #tpu.memory_space<vmem>> -> memref<128x128xf32, #tpu.memory_space<vmem>>
    tpu.enqueue_dma source(%dma_start3A_125 : memref<128x128xf32, #tpu.memory_space<vmem>>) target(%dma_start3A_122 : memref<128x128xf32, #tpu.memory_space<hbm>>) target_semaphore(%arg11 : memref<!tpu.dma_semaphore, #tpu.memory_space<semaphore_mem>>)
    %dma_wait3A_126 = arith.constant 0 : i32
    %dma_wait3A_127 = arith.constant 0 : i32
    %dma_wait3A_128 = tpu.memref_slice %arg6[%dma_wait3A_126, %dma_wait3A_127] : memref<512x128xf32, #tpu.memory_space<vmem>> -> memref<128x128xf32, #tpu.memory_space<vmem>>
    %dma_wait3A_129 = arith.constant 0 : i32
    %dma_wait3A_130 = tpu.memref_slice %arg4[%add3A_46, %dma_wait3A_129] : memref<16384x128xf32, #tpu.memory_space<hbm>> -> memref<128x128xf32, #tpu.memory_space<hbm>>
    %dma_wait3A_131 = arith.constant 0 : i32
    %dma_wait3A_132 = tpu.memref_slice %arg4[%add3A_46, %dma_wait3A_131] : memref<16384x128xf32, #tpu.memory_space<hbm>> -> memref<128x128xf32, #tpu.memory_space<hbm>>
    %dma_wait3A_133 = arith.constant 0 : i32
    %dma_wait3A_134 = arith.constant 0 : i32
    %dma_wait3A_135 = tpu.memref_slice %arg6[%dma_wait3A_133, %dma_wait3A_134] : memref<512x128xf32, #tpu.memory_space<vmem>> -> memref<128x128xf32, #tpu.memory_space<vmem>>
    tpu.wait_dma2 semaphore(%arg11 : memref<!tpu.dma_semaphore, #tpu.memory_space<semaphore_mem>>) src(%dma_wait3A_135 : memref<128x128xf32, #tpu.memory_space<vmem>>) dst(%dma_wait3A_132 : memref<128x128xf32, #tpu.memory_space<hbm>>)
    %dma_wait3A_136 = arith.constant 128 : i32
    %dma_wait3A_137 = arith.constant 0 : i32
    %dma_wait3A_138 = tpu.memref_slice %arg6[%dma_wait3A_136, %dma_wait3A_137] : memref<512x128xf32, #tpu.memory_space<vmem>> -> memref<128x128xf32, #tpu.memory_space<vmem>>
    %dma_wait3A_139 = arith.constant 0 : i32
    %dma_wait3A_140 = tpu.memref_slice %arg4[%add3A_69, %dma_wait3A_139] : memref<16384x128xf32, #tpu.memory_space<hbm>> -> memref<128x128xf32, #tpu.memory_space<hbm>>
    %dma_wait3A_141 = arith.constant 0 : i32
    %dma_wait3A_142 = tpu.memref_slice %arg4[%add3A_69, %dma_wait3A_141] : memref<16384x128xf32, #tpu.memory_space<hbm>> -> memref<128x128xf32, #tpu.memory_space<hbm>>
    %dma_wait3A_143 = arith.constant 128 : i32
    %dma_wait3A_144 = arith.constant 0 : i32
    %dma_wait3A_145 = tpu.memref_slice %arg6[%dma_wait3A_143, %dma_wait3A_144] : memref<512x128xf32, #tpu.memory_space<vmem>> -> memref<128x128xf32, #tpu.memory_space<vmem>>
    tpu.wait_dma2 semaphore(%arg11 : memref<!tpu.dma_semaphore, #tpu.memory_space<semaphore_mem>>) src(%dma_wait3A_145 : memref<128x128xf32, #tpu.memory_space<vmem>>) dst(%dma_wait3A_142 : memref<128x128xf32, #tpu.memory_space<hbm>>)
    %dma_wait3A_146 = arith.constant 256 : i32
    %dma_wait3A_147 = arith.constant 0 : i32
    %dma_wait3A_148 = tpu.memref_slice %arg6[%dma_wait3A_146, %dma_wait3A_147] : memref<512x128xf32, #tpu.memory_space<vmem>> -> memref<128x128xf32, #tpu.memory_space<vmem>>
    %dma_wait3A_149 = arith.constant 0 : i32
    %dma_wait3A_150 = tpu.memref_slice %arg4[%add3A_92, %dma_wait3A_149] : memref<16384x128xf32, #tpu.memory_space<hbm>> -> memref<128x128xf32, #tpu.memory_space<hbm>>
    %dma_wait3A_151 = arith.constant 0 : i32
    %dma_wait3A_152 = tpu.memref_slice %arg4[%add3A_92, %dma_wait3A_151] : memref<16384x128xf32, #tpu.memory_space<hbm>> -> memref<128x128xf32, #tpu.memory_space<hbm>>
    %dma_wait3A_153 = arith.constant 256 : i32
    %dma_wait3A_154 = arith.constant 0 : i32
    %dma_wait3A_155 = tpu.memref_slice %arg6[%dma_wait3A_153, %dma_wait3A_154] : memref<512x128xf32, #tpu.memory_space<vmem>> -> memref<128x128xf32, #tpu.memory_space<vmem>>
    tpu.wait_dma2 semaphore(%arg11 : memref<!tpu.dma_semaphore, #tpu.memory_space<semaphore_mem>>) src(%dma_wait3A_155 : memref<128x128xf32, #tpu.memory_space<vmem>>) dst(%dma_wait3A_152 : memref<128x128xf32, #tpu.memory_space<hbm>>)
    %dma_wait3A_156 = arith.constant 384 : i32
    %dma_wait3A_157 = arith.constant 0 : i32
    %dma_wait3A_158 = tpu.memref_slice %arg6[%dma_wait3A_156, %dma_wait3A_157] : memref<512x128xf32, #tpu.memory_space<vmem>> -> memref<128x128xf32, #tpu.memory_space<vmem>>
    %dma_wait3A_159 = arith.constant 0 : i32
    %dma_wait3A_160 = tpu.memref_slice %arg4[%add3A_115, %dma_wait3A_159] : memref<16384x128xf32, #tpu.memory_space<hbm>> -> memref<128x128xf32, #tpu.memory_space<hbm>>
    %dma_wait3A_161 = arith.constant 0 : i32
    %dma_wait3A_162 = tpu.memref_slice %arg4[%add3A_115, %dma_wait3A_161] : memref<16384x128xf32, #tpu.memory_space<hbm>> -> memref<128x128xf32, #tpu.memory_space<hbm>>
    %dma_wait3A_163 = arith.constant 384 : i32
    %dma_wait3A_164 = arith.constant 0 : i32
    %dma_wait3A_165 = tpu.memref_slice %arg6[%dma_wait3A_163, %dma_wait3A_164] : memref<512x128xf32, #tpu.memory_space<vmem>> -> memref<128x128xf32, #tpu.memory_space<vmem>>
    tpu.wait_dma2 semaphore(%arg11 : memref<!tpu.dma_semaphore, #tpu.memory_space<semaphore_mem>>) src(%dma_wait3A_165 : memref<128x128xf32, #tpu.memory_space<vmem>>) dst(%dma_wait3A_162 : memref<128x128xf32, #tpu.memory_space<hbm>>)
    return
  }
}

</mosaic_0001>

<sc_bundles>
// kernel: kernel.3.cloned.1.call-start
scs
__scs_entry_jumppad:
0x0: {  	(pc) =	sbr.rel $0x88, $3  }
0x1: {  	(tag) =	ssettag $0x0;
	lr =	simm.s32 $0x1  }
0x2: {  	[smem:$0x3F9F] =	sst lr;
	_ =	strace $0xD0000000  }
0x3: {  	_ = 	snop  }
0x4: {  	_ = 	snop  }
0x5: {  	_ = 	snop  }
0x6: {  	_ = 	snop  }
0x7: {  	_ = 	snop  }
__scs_overlays_trampoline_lowered:
0x8: {  	[smem:$0x3FAE] =	sst s0  }
0x9: {  	[smem:$0x3FAF] =	sst s1  }
0xa: {  	[smem:$0x3FB0] =	sst s2  }
0xb: {  	[smem:$0x3FB1] =	sst s3  }
0xc: {  	[smem:$0x3FB2] =	sst s4  }
0xd: {  	[smem:$0x3FB3] =	sst s5  }
0xe: {  	[smem:$0x3FB4] =	sst s6  }
0xf: {  	[smem:$0x3FB5] =	sst s7  }
0x10: {  	[smem:$0x3FB6] =	sst s8  }
0x11: {  	[smem:$0x3FB7] =	sst s9;
	s0 =	simm.s32 @!p0 $0x0  }
0x12: {  	s1 =	sld [smem:$0x3F9D];
	s0 =	simm.s32 @p0 $0x1  }
0x13: {  	[smem:$0x3FB8] =	sst s0;
	s0 =	simm.s32 @!p1 $0x0  }
0x14: {  	s2 =	sld [smem:$0x3F9C];
	s0 =	simm.s32 @p1 $0x1  }
0x15: {  	[smem:$0x3FB9] =	sst s0;
	s0 =	simm.s32 @!p2 $0x0  }
0x16: {  	s3 =	sld [smem:$0x3FDB];
	s0 =	simm.s32 @p2 $0x1  }
0x17: {  	s4 =	simm.s32 $0x1BF5;
	[smem:$0x3FBB] =	sst s0  }
0x18: {  	s0 =	sld [smem:$0x3F9E];
	_ =	swait.ge [sflag:s4], $0x0  }
0x19: {  	s7 =	sld [smem:$0x3F9F]  }
0x1a: {  	s8 =	sadd.s32 $0xFFFFE003, lr  }
0x1b: {  	s9 =	sadd.s32 $0xFFFFFEF7, lr;
	s5 =	simm.s32 $0xFFFFFFFF;
	p2 =	slt.u32 s8, $0xFFFFF086  }
0x1c: {  	p1 =	slt.u32 s9, $0xF7A;
	s5 =	simm.s32 @!p2 $0x0  }
0x1d: {  	s5 =	simm.s32 @p1 $0x1;
	p0 =	seq.s32 s7, s2  }
0x1e: {  	s7 =	smul.u32 @!p0 $0xF7A, s2;
	p2 =	seq.s32 @!p0 s5, $0x0  }
0x1f: {  	s9 =	smul.u32 $0xF7A, s1;
	s8 =	simm.s32 @!p0 $0x1BF5;
	p2 =	por !p2, p0  }
0x20: {  	[sflag:s8] =	ssyncset.s32 @!p0 $0xFFFFF086;
	s6 =	sadd.s32 @!p0 s3, s7;
	s7 =	simm.s32 @!p0 $0x108  }
0x21: {  	s3 =	sadd.s32 s3, s9;
	s6 =	sadd.s32 @!p0 $0x88, s6;
	s7 =	simm.s32 @p2 $0x1082  }
0x22: {  	[simem:s7], [sflag:s8] =	dma.local @!p0 [hbm:s6], $0xF7A  }
0x23: {  	s9 =	sor.u32 $0xD0000000, s2;
	s6 =	simm.s32 $0x108;
	_ =	swait.ge @!p0 [sflag:s8], $0x0  }
0x24: {  	s3 =	sadd.s32 $0x88, s3;
	s6 =	simm.s32 @!p1 $0x1082;
	[sflag:s4] =	ssyncset.s32 $0xFFFFF086  }
0x25: {  	[simem:s6], [sflag:s4] =	dma.local [hbm:s3], $0xF7A  }
0x26: {  	[smem:$0x3F9F] =	sst s1;
	(tag) =	ssettag s2;
	_ =	strace s9  }
0x27: {  	s1 =	sld [smem:$0x3FAF]  }
0x28: {  	s2 =	sld [smem:$0x3FB0]  }
0x29: {  	s4 =	sld [smem:$0x3FB2]  }
0x2a: {  	p0 =	seq.s32 s5, $0x0;
	s5 =	sld [smem:$0x3FB3]  }
0x2b: {  	s6 =	sld [smem:$0x3FB4]  }
0x2c: {  	s7 =	sld [smem:$0x3FB5]  }
0x2d: {  	s3 =	simm.s32 $0x108;
	s8 =	sld [smem:$0x3FB6]  }
0x2e: {  	s3 =	simm.s32 @!p0 $0x1082;
	s9 =	sld [smem:$0x3FB7]  }
0x2f: {  	lr =	sadd.s32 s0, s3;
	s0 =	sld [smem:$0x3FAE]  }
0x30: {  	s3 =	sld [smem:$0x3FB1]  }
0x31: {  	[smem:$0x3FBA] =	sst s10  }
0x32: {  	s10 =	sld [smem:$0x3FB8];
	_ =	sdelay $0x3  }
0x33: {  	p0 =	seq.s32 s10, $0x1;
	s10 =	sld [smem:$0x3FBA];
	_ =	sdelay $0x3  }
0x34: {  	[smem:$0x3FBA] =	sst s10  }
0x35: {  	s10 =	sld [smem:$0x3FB9];
	_ =	sdelay $0x3  }
0x36: {  	p1 =	seq.s32 s10, $0x1;
	s10 =	sld [smem:$0x3FBA];
	_ =	sdelay $0x3  }
0x37: {  	[smem:$0x3FBA] =	sst s10  }
0x38: {  	s10 =	sld [smem:$0x3FBB]  }
0x39: {  	_ = 	snop;
	(pc) =	sbr.ind lr, $3  }
0x3a: {  	_ = 	snop  }
0x3b: {  	_ = 	snop  }
0x3c: {  	p2 =	seq.s32 s10, $0x1;
	s10 =	sld [smem:$0x3FBA]  }
0x3d: {  	_ =	shalt  }
0x3e: {  	_ =	shalt  }
0x3f: {  	_ =	shalt  }
0x40: {  	_ =	shalt  }
0x41: {  	_ =	shalt  }
0x42: {  	_ =	shalt  }
0x43: {  	_ =	shalt  }
0x44: {  	_ =	shalt  }
0x45: {  	_ =	shalt  }
0x46: {  	_ =	shalt  }
0x47: {  	_ =	shalt  }
0x48: {  	_ =	shalt  }
0x49: {  	_ =	shalt  }
0x4a: {  	_ =	shalt  }
0x4b: {  	_ =	shalt  }
0x4c: {  	_ =	shalt  }
0x4d: {  	_ =	shalt  }
0x4e: {  	_ =	shalt  }
0x4f: {  	_ =	shalt  }
0x50: {  	_ =	shalt  }
0x51: {  	_ =	shalt  }
0x52: {  	_ =	shalt  }
0x53: {  	_ =	shalt  }
0x54: {  	_ =	shalt  }
0x55: {  	_ =	shalt  }
0x56: {  	_ =	shalt  }
0x57: {  	_ =	shalt  }
0x58: {  	_ =	shalt  }
0x59: {  	_ =	shalt  }
0x5a: {  	_ =	shalt  }
0x5b: {  	_ =	shalt  }
0x5c: {  	_ =	shalt  }
0x5d: {  	_ =	shalt  }
0x5e: {  	_ =	shalt  }
0x5f: {  	_ =	shalt  }
0x60: {  	_ =	shalt  }
0x61: {  	_ =	shalt  }
0x62: {  	_ =	shalt  }
0x63: {  	_ =	shalt  }
0x64: {  	_ =	shalt  }
0x65: {  	_ =	shalt  }
0x66: {  	_ =	shalt  }
0x67: {  	_ =	shalt  }
0x68: {  	_ =	shalt  }
0x69: {  	_ =	shalt  }
0x6a: {  	_ =	shalt  }
0x6b: {  	_ =	shalt  }
0x6c: {  	_ =	shalt  }
0x6d: {  	_ =	shalt  }
0x6e: {  	_ =	shalt  }
0x6f: {  	_ =	shalt  }
0x70: {  	_ =	shalt  }
0x71: {  	_ =	shalt  }
0x72: {  	_ =	shalt  }
0x73: {  	_ =	shalt  }
0x74: {  	_ =	shalt  }
0x75: {  	_ =	shalt  }
0x76: {  	_ =	shalt  }
0x77: {  	_ =	shalt  }
0x78: {  	_ =	shalt  }
0x79: {  	_ =	shalt  }
0x7a: {  	_ =	shalt  }
0x7b: {  	_ =	shalt  }
0x7c: {  	_ =	shalt  }
0x7d: {  	_ =	shalt  }
0x7e: {  	_ =	shalt  }
0x7f: {  	_ =	shalt  }
0x80: {  	_ =	shalt  }
0x81: {  	_ =	shalt  }
0x82: {  	_ =	shalt  }
0x83: {  	_ =	shalt  }
0x84: {  	_ =	shalt  }
0x85: {  	_ =	shalt  }
0x86: {  	_ =	shalt  }
0x87: {  	_ =	shalt  }
.Lfunc_end0:
.L_simem_size_0:
called_computation_lowered:
.L_overlay_start_0:
0x88: {  	s2 =	sld [smem:$0x3FD9]  }
0x89: {  	s3 =	sld [smem:$0x3FFE];
	_ =	sdelay $0x1  }
0x8a: {  	s1 =	srdreg.scid  }
0x8b: {  	s0 =	sand.u32 $0x1, s1  }
0x8c: {  	s18 =	sshll.u32 s0, $0xA;
	s2 =	sadd.s32 s3, s2  }
0x8d: {  	s2 =	sadd.s32 s2, s18  }
0x8e: {  	[smem:$0x3FC6] =	sst s2  }
0x8f: {  	_ = 	snop  }
0x90: {  	s2 =	sld [smem:$0x3FC9]  }
0x91: {  	s19 =	sld [smem:$0x3FC8]  }
0x92: {  	s4 =	sld [smem:$0x3FD0];
	(tm) =	ssettm $0x1  }
0x93: {  	s5 =	sld [smem:$0x3FFB];
	_ =	sdelay $0x3  }
0x94: {  	_ =	strace s5  }
0x95: {  	s5 =	sld [smem:$0x3FFC];
	_ =	sdelay $0x3  }
0x96: {  	_ =	strace s5  }
0x97: {  	s5 =	sld [smem:$0x3FFD];
	_ =	sdelay $0x3  }
0x98: {  	_ =	strace s5  }
0x99: {  	_ =	strace $0x8FFFFFFF  }
0x9a: {  	s20 =	sld [smem:$0x3FDB];
	_ =	sdelay $0x1  }
0x9b: {  	s6 =	simm.s32 $_scs_section_size  }
0x9c: {  	s7 =	simm.s32 $_size__tile_overlayer_lowered;
	s8 =	simm.s32 $_tile_overlayer_lowered  }
0x9d: {  	s23 =	simm.s32 $0x1BFF;
	s22 =	sshll.u32 s8, $0x1;
	s5 =	sadd.s32 s6, s20  }
0x9e: {  	s9 =	simm.s32 $0x0;
	s21 =	sshll.u32 s7, $0x1;
	s7 =	sadd.s32 s22, s5  }
0x9f: {  	[timem:s9], [sflag:s23] =	dma.local [hbm:s7], s21  }
0xa0: {  	_ =	swait.ge [sflag:s23], s21  }
0xa1: {  	s6 =	ssub.s32 $0x0, s21;
	[sflag:s23] =	ssyncset.done $0x0  }
0xa2: {  	[sflag:s23] =	ssyncadd.s32 s6;
	_ =	sdelay $0x1  }
0xa3: {  	s24 =	simm.s32 $0x1B8B  }
0xa4: {  	_ =	swait.ge [sflag:s24], $0x1  }
0xa5: {  	[sflag:s24] =	ssyncset.done $0x0  }
0xa6: {  	s25 =	simm.s32 $0x1B8E;
	[sflag:s24] =	ssyncadd.s32 $0xFFFFFFFF  }
0xa7: {  	s26 =	simm.s32 $execute0_lowered;
	[smem:$0x3FD2] =	sst s25  }
0xa8: {  	s6 =	sshll.u32 s26, $0x1;
	_ =	strace $0x80000046;
	[dreg:$0x1] =	wrdreg $0xFFFFFFFF  }
0xa9: {  	s28 =	simm.s32 $_size_execute0_lowered;
	s5 =	sadd.s32 s5, s6;
	[dreg:$0x0] =	wrdreg $0x0  }
0xaa: {  	s6 =	sshll.u32 s28, $0x1;
	[dreg:$0x2] =	wrdreg s5  }
0xab: {  	[dreg:$0x3] =	wrdreg s6  }
0xac: {  	[dreg:$0x4] =	wrdreg $0xC0  }
0xad: {  	_ =	task [dreg:s9], $0x5FFFF  }
0xae: {  	[dreg:$0x1] =	wrdreg $0xFFFFFFFF  }
0xaf: {  	[dreg:$0x0] =	wrdreg $0x60  }
0xb0: {  	[dreg:$0x2] =	wrdreg s2  }
0xb1: {  	[dreg:$0x3] =	wrdreg s19  }
0xb2: {  	[dreg:$0x4] =	wrdreg s4  }
0xb3: {  	[dreg:$0x5] =	wrdreg $0x9  }
0xb4: {  	_ =	task.clear_ibuf [dreg:s9], $0x6FFFF;
	_ =	strace $0x90000046  }
0xb5: {  	s29 =	simm.s32 $0x9;
	_ =	strace $0x80000048  }
0xb6: {  	_ =	swait.ge [sflag:s29], $0x1  }
0xb7: {  	[sflag:s29] =	ssyncadd.s32 $0xFFFFFFFF  }
0xb8: {  	_ =	strace $0x90000048  }
0xb9: {  	_ =	sfence  }
0xba: {  	s30 =	sld [smem:$0x0];
	_ =	sdelay $0x2  }
0xbb: {  	s31 =	sshll.u32 s1, $0xD;
	s1 =	sshrl.u32 s1, $0x2  }
0xbc: {  	s3 =	sand.u32 $0x4000, s31;
	s1 =	sadd.s32 s1, s30  }
0xbd: {  	s0 =	sor.u32 s3, s0;
	s1 =	sshll.u32 s1, $0x11  }
0xbe: {  	s0 =	sor.u32 s1, s0  }
0xbf: {  	s0 =	sadd.s32 $0x8F2B, s0  }
0xc0: {  	[sflag:s0] =	ssyncadd.remote.s32 $0x1  }
0xc1: {  	_ =	sfence.sel $0xFFFF  }
0xc2: {  	[dreg:$0x0] =	wrdreg $0xFFFFFFFF;
	(pc) =	sbr.abs _section_cstart, $3  }
0xc3: {  	[dreg:$0x1] =	wrdreg $0xFFFFFFFF  }
0xc4: {  	_ =	task.clear_ibuf [dreg:s9], $0x2FFFF;
	_ =	strace $0x9FFFFFFF  }
0xc5: {  	(tm) =	ssettm $0x7FFFFFFF  }
tec
execute0_lowered:
.L_overlay_start_1:
0x0: {  	(tag) =	ssettag $0x1  }
0x1: {  	s5 =	rddreg [dreg:$0x0]  }
0x2: {  	s1 =	rddreg [dreg:$0x1]  }
0x3: {  	s7 =	rddreg [dreg:$0x2]  }
0x4: {  	s0 =	rddreg [dreg:$0x3];
	s2 =	simm.s32 $0x0;
	v0 =	vimm.s32 $0xFEDCBA98;
	s4 =	srdreg.scid;
	v1 =	vimm.s32 $0x76543210  }
0x5: {  	s3 =	stileid.u32;
	v2 =	vimm.s32 $0xBA98FEDC;
	v3 =	vimm.s32 $0x32107654;
	v4 =	vimm.s32 $0xDCFE98BA;
	s11 =	simm.s32 $0x6;
	s12 =	simm.s32 $0x80  }
0x6: {  	v5 =	vimm.s32 $0x54761032;
	v6 =	vimm.s32 $0xEFCDAB89;
	s13 =	simm.s32 $0x200;
	s14 =	simm.s32 $0x4200;
	s15 =	simm.s32 $0x100  }
0x7: {  	v7 =	vimm.s32 $0x67452301;
	s16 =	simm.s32 $0x8200;
	s17 =	simm.s32 $0x180;
	s18 =	simm.s32 $0xC200  }
0x8: {  	s19 =	simm.s32 $0x1;
	s20 =	simm.s32 $0x2;
	s21 =	simm.s32 $0x3;
	v0 =	vunpack.c.l.s4.s8 v0;
	v1 =	vunpack.c.l.s4.s8 v1;
	v2 =	vunpack.c.l.s4.s8 v2  }
0x9: {  	s22 =	simm.s32 $0x4;
	s23 =	simm.s32 $0x5;
	s4 =	sand.u32 $0x1, s4;
	v3 =	vunpack.c.l.s4.s8 v3;
	v4 =	vunpack.c.l.s4.s8 v4;
	v5 =	vunpack.c.l.s4.s8 v5  }
0xa: {  	s24 =	simm.s32 $0x0;
	[smem:$0x7FF] =	sst s2;
	v6 =	vunpack.c.l.s4.s8 v6;
	v7 =	vunpack.c.l.s4.s8 v7;
	s6 =	ssub.s32 $0x2, s4;
	v0 =	vunpack.c.0.s8.s32 v0  }
0xb: {  	s8 =	sshll.u32 s3, $0xA;
	s4 =	sshll.u32 s4, $0x9;
	s9 =	sshrl.u32 s6, $0x1;
	v2 =	vunpack.c.0.s8.s32 v2;
	v3 =	vunpack.c.0.s8.s32 v3;
	v4 =	vunpack.c.0.s8.s32 v4  }
0xc: {  	_ =	strace $0x80000047;
	s8 =	sor.u32 s4, s8;
	v5 =	vunpack.c.0.s8.s32 v5;
	v6 =	vunpack.c.0.s8.s32 v6;
	v7 =	vunpack.c.0.s8.s32 v7;
	s10 =	ssub.s32 s6, s9  }
0xd: {  	v1 =	vunpack.c.0.s8.s32 v1;
	s4 =	sshrl.u32 s8, $0x3;
	s29 =	sor.u32 $0x80, s8;
	s8 =	sshll.u32 s8, $0x4;
	v2 =	vcombine.low v3, v2  }
0xe: {  	s4 =	sadd.s32 s5, s4;
	s30 =	sshrl.u32 s29, $0x3;
	s6 =	sadd.s32 s7, s8;
	v3 =	vcombine.low v5, v4;
	v4 =	vcombine.low v7, v6;
	v0 =	vand.u32 $0xF, v0  }
0xf: {  	s31 =	sshll.u32 s29, $0x4;
	s10 =	smax.u32 s10, $0x1;
	s5 =	sadd.s32 s5, s30;
	v0 =	vcombine.low v0, v1  }
0x10: {  	s7 =	sadd.s32 s7, s31;
	s8 =	sadd.s32 $0x1000, s6;
	s9 =	sadd.s32 $0x1800, s6;
	v1 =	vand.u32 $0xF, v2;
	v2 =	vand.u32 $0xF, v3;
	v3 =	vand.u32 $0xF, v4  }
.LBB2_1:
0x11: {  	[tilespmem:s2], [sflag:$0x6] =	stream.linear.gather [hbm4b:s4+s2], $0x80, $0x38;
	[tilespmem:$0x10200] =	vst v63  }
0x12: {  	_ =	swait.ge [sflag:s11], $0x80  }
0x13: {  	[sflag:s11] =	ssyncset.done $0x0  }
0x14: {  	[sflag:s11] =	ssyncadd.s32 $0xFFFFFF80  }
0x15: {  	[tilespmem:s13], [sflag:$0x1] =	stream.indirect.gather [hbm4b:s1+s12], $0x80, s2, s12, $0xb8;
	[tilespmem:$0x10200] =	vst v63  }
0x16: {  	_ = 	snop  }
0x17: {  	[tilespmem:s12], [sflag:$0x6] =	stream.linear.gather [hbm4b:s5+s2], $0x180, $0x38;
	[tilespmem:$0x10200] =	vst v63  }
0x18: {  	_ =	swait.ge [sflag:s11], $0x180  }
0x19: {  	[sflag:s11] =	ssyncset.done $0x0  }
0x1a: {  	[sflag:s11] =	ssyncadd.s32 $0xFFFFFE80  }
0x1b: {  	[tilespmem:s14], [sflag:$0x2] =	stream.indirect.gather [hbm4b:s1+s12], $0x80, s12, s12, $0xb8;
	[tilespmem:$0x10200] =	vst v63  }
0x1c: {  	_ = 	snop  }
0x1d: {  	[tilespmem:s16], [sflag:$0x3] =	stream.indirect.gather [hbm4b:s1+s12], $0x80, s15, s12, $0xb8;
	[tilespmem:$0x10200] =	vst v63  }
0x1e: {  	_ = 	snop  }
0x1f: {  	[tilespmem:s18], [sflag:$0x4] =	stream.indirect.gather [hbm4b:s1+s12], $0x80, s17, s12, $0xb8;
	[tilespmem:$0x10200] =	vst v63  }
0x20: {  	_ =	swait.ge [sflag:s19], $0x4000  }
0x21: {  	[sflag:s19] =	ssyncset.done $0x0  }
0x22: {  	s25 =	simm.s32 $0x300;
	[sflag:s19] =	ssyncadd.s32 $0xFFFFC000  }
0x23: {  	v32 =	vld [tilespmem:s25+$0x80]  }
0x24: {  	v33 =	vld [tilespmem:s25+$0x90]  }
0x25: {  	v34 =	vld [tilespmem:s25+$0xA0]  }
0x26: {  	v31 =	vld [tilespmem:s25+$0xB0]  }
0x27: {  	v30 =	vld [tilespmem:s25+$0xC0]  }
0x28: {  	v29 =	vld [tilespmem:s25+$0xD0]  }
0x29: {  	v28 =	vld [tilespmem:s25+$0xE0]  }
0x2a: {  	v35 =	vld [tilespmem:s25+$0xF0]  }
0x2b: {  	v8 =	vld [tilespmem:s25+$0xFFFFFF10]  }
0x2c: {  	v9 =	vld [tilespmem:s25+$0xFFFFFF20]  }
0x2d: {  	v10 =	vld [tilespmem:s25+$0xFFFFFF30]  }
0x2e: {  	v4 =	vld [tilespmem:s25+$0xFFFFFF40]  }
0x2f: {  	v5 =	vld [tilespmem:s25+$0xFFFFFF50]  }
0x30: {  	v6 =	vld [tilespmem:s25+$0xFFFFFF60];
	v11 =	vmul.f32 v32, v32;
	v12 =	vmul.f32 v33, v33  }
0x31: {  	v7 =	vld [tilespmem:s25+$0xFFFFFF70];
	v13 =	vmul.f32 v34, v34;
	v14 =	vmul.f32 v31, v31  }
0x32: {  	v21 =	vld [tilespmem:s25+$0xFFFFFF80];
	v15 =	vmul.f32 v30, v30;
	v16 =	vmul.f32 v29, v29  }
0x33: {  	v22 =	vld [tilespmem:s25+$0xFFFFFF90];
	v17 =	vmul.f32 v28, v28;
	v18 =	vmul.f32 v35, v35  }
0x34: {  	v26 =	vld [tilespmem:s25+$0xFFFFFFA0];
	v11 =	vadd.f32 v12, v11;
	v12 =	vadd.f32 v14, v13  }
0x35: {  	v24 =	vld [tilespmem:s25+$0xFFFFFFB0];
	v13 =	vadd.f32 v16, v15;
	v14 =	vadd.f32 v18, v17  }
0x36: {  	v25 =	vld [tilespmem:s25+$0xFFFFFFC0];
	v19 =	vmul.f32 v4, v4  }
0x37: {  	v23 =	vld [tilespmem:s25+$0xFFFFFFD0];
	v20 =	vmul.f32 v5, v5;
	v11 =	vadd.f32 v12, v11;
	v12 =	vadd.f32 v14, v13  }
0x38: {  	v27 =	vmul.f32 v6, v6;
	v36 =	vmul.f32 v7, v7;
	v18 =	vld [tilespmem:s25+$0x20]  }
0x39: {  	v37 =	vmul.f32 v21, v21;
	v40 =	vadd.f32 v20, v19;
	v19 =	vld [tilespmem:s25+$0x40];
	v14 =	vadd.f32 v12, v11  }
0x3a: {  	v39 =	vmul.f32 v26, v26;
	v15 =	vmul.f32 v9, v9;
	v11 =	vld [tilespmem:s25+$0xFFFFFFE0]  }
0x3b: {  	v17 =	vmul.f32 v10, v10;
	v12 =	vld [tilespmem:s25+$0xFFFFFFF0];
	v16 =	vperm.xlane v14, v0  }
0x3c: {  	v42 =	vmul.f32 v23, v23;
	v20 =	vmul.f32 v24, v24;
	v13 =	vld [tilespmem:s25+$0x0]  }
0x3d: {  	v48 =	vmul.f32 v8, v8;
	v38 =	vadd.f32 v17, v15;
	v17 =	vld [tilespmem:s25+$0x30];
	v14 =	vadd.f32 v14, v16  }
0x3e: {  	v36 =	vadd.f32 v36, v27;
	v27 =	vmul.f32 v25, v25;
	v39 =	vadd.f32 v20, v39;
	v20 =	vld [tilespmem:s25+$0x70]  }
0x3f: {  	v15 =	vmul.f32 v22, v22;
	v16 =	vld [tilespmem:s25+$0x10];
	v41 =	vperm.xlane v14, v1  }
0x40: {  	v42 =	vadd.f32 v42, v27;
	v27 =	vld [tilespmem:s25+$0xFFFFFF00];
	v43 =	vmul.f32 v11, v11;
	v44 =	vmul.f32 v12, v12  }
0x41: {  	v37 =	vadd.f32 v15, v37;
	v15 =	vld [tilespmem:s25+$0x60];
	v46 =	vmul.f32 v18, v18;
	v41 =	vadd.f32 v14, v41  }
0x42: {  	v60 =	vmul.f32 v19, v19;
	v57 =	vmul.f32 v13, v13;
	v43 =	vadd.f32 v44, v43;
	v14 =	vld [tilespmem:s25+$0x50]  }
0x43: {  	v37 =	vadd.f32 v39, v37;
	v59 =	vmul.f32 v17, v17;
	v45 =	vperm.xlane v41, v2  }
0x44: {  	v47 =	vmul.f32 v20, v20;
	v58 =	vmul.f32 v16, v16;
	v42 =	vadd.f32 v43, v42  }
0x45: {  	v63 =	vmul.f32 v27, v27;
	v43 =	vadd.f32 v59, v46;
	v41 =	vadd.f32 v41, v45  }
0x46: {  	v62 =	vmul.f32 v15, v15;
	v39 =	vadd.f32 v58, v57;
	v37 =	vadd.f32 v42, v37  }
0x47: {  	v61 =	vmul.f32 v14, v14;
	v45 =	vperm.xlane v41, v3  }
0x48: {  	v46 =	vadd.f32 v47, v62;
	v49 =	vperm.xlane v37, v0;
	v39 =	vadd.f32 v43, v39  }
0x49: {  	v42 =	vadd.f32 v61, v60;
	v41 =	vadd.f32 v41, v45  }
0x4a: {  	v37 =	vadd.f32 v37, v49;
	v45 =	vadd.f32 v48, v63  }
0x4b: {  	v42 =	vadd.f32 v46, v42;
	v50 =	vshrl.u32 v41, $0x1;
	v51 =	vmul.f32 $5.000000000e-01, v41  }
0x4c: {  	v36 =	vadd.f32 v36, v40;
	v38 =	vadd.f32 v38, v45;
	v52 =	vsub.s32 $0x5F3759DF, v50  }
0x4d: {  	v44 =	vperm.xlane v37, v1;
	v39 =	vadd.f32 v42, v39;
	v43 =	vmul.f32 v52, v51  }
0x4e: {  	v36 =	vadd.f32 v36, v38  }
0x4f: {  	v37 =	vadd.f32 v37, v44;
	v42 =	vperm.xlane v39, v0;
	v53 =	vmul.f32 v52, v43  }
0x50: {  	v54 =	vperm.xlane v36, v0  }
0x51: {  	v44 =	vperm.xlane v37, v2;
	v39 =	vadd.f32 v39, v42;
	v38 =	vsub.f32 $1.500000000e+00, v53  }
0x52: {  	v36 =	vadd.f32 v36, v54  }
0x53: {  	v37 =	vadd.f32 v37, v44;
	v55 =	vperm.xlane v39, v1;
	v38 =	vmul.f32 v52, v38  }
0x54: {  	vm0 =	vgt.f32 v41, $1.000000020e-24;
	v56 =	vperm.xlane v36, v1  }
0x55: {  	v57 =	vperm.xlane v37, v3;
	v39 =	vadd.f32 v39, v55;
	v38 =	vnsel vm0, $0x5368D4A5, v38  }
0x56: {  	v36 =	vadd.f32 v36, v56;
	v35 =	vmul.f32 v38, v35;
	v32 =	vmul.f32 v38, v32  }
0x57: {  	v37 =	vadd.f32 v37, v57;
	v58 =	vmul.f32 v38, v33;
	v59 =	vperm.xlane v39, v2  }
0x58: {  	v34 =	vmul.f32 v38, v34;
	v41 =	vperm.xlane v36, v2  }
0x59: {  	v60 =	vshrl.u32 v37, $0x1;
	v42 =	vmul.f32 $5.000000000e-01, v37;
	[tilespmem:s25+$0xF0] =	vst v35;
	v39 =	vadd.f32 v39, v59  }
0x5a: {  	v31 =	vmul.f32 v38, v31;
	v33 =	vsub.s32 $0x5F3759DF, v60;
	[tilespmem:s25+$0x80] =	vst v32;
	v36 =	vadd.f32 v36, v41  }
0x5b: {  	[tilespmem:s25+$0x90] =	vst v58;
	v61 =	vmul.f32 v33, v42;
	v62 =	vperm.xlane v39, v3  }
0x5c: {  	v30 =	vmul.f32 v38, v30;
	[tilespmem:s25+$0xA0] =	vst v34;
	v63 =	vperm.xlane v36, v3  }
0x5d: {  	[tilespmem:s25+$0xB0] =	vst v31;
	v32 =	vmul.f32 v38, v29;
	v34 =	vmul.f32 v33, v61;
	v35 =	vadd.f32 v39, v62  }
0x5e: {  	s26 =	simm.s32 $0x0;
	s28 =	simm.s32 $0x500;
	vm1 =	vgt.f32 v37, $1.000000020e-24;
	v28 =	vmul.f32 v38, v28;
	[tilespmem:s25+$0xC0] =	vst v30;
	v29 =	vadd.f32 v36, v63  }
.LBB2_2:
0x5f: {  	v31 =	vld [tilespmem:s28+$0x80];
	v30 =	vsub.f32 $1.500000000e+00, v34;
	v34 =	vshrl.u32 v35, $0x1;
	v36 =	vmul.f32 $5.000000000e-01, v35;
	[tilespmem:s25+$0xD0] =	vst v32  }
0x60: {  	v32 =	vld [tilespmem:s28+$0x90];
	v37 =	vshrl.u32 v29, $0x1;
	v38 =	vmul.f32 $5.000000000e-01, v29;
	v39 =	vsub.s32 $0x5F3759DF, v34;
	[tilespmem:s25+$0xE0] =	vst v28  }
0x61: {  	v34 =	vld [tilespmem:s28+$0xA0];
	v40 =	vsub.s32 $0x5F3759DF, v37;
	v30 =	vmul.f32 v33, v30;
	v36 =	vmul.f32 v39, v36  }
0x62: {  	vm2 =	vgt.f32 v35, $1.000000020e-24;
	vm0 =	vgt.f32 v29, $1.000000020e-24;
	v33 =	vld [tilespmem:s28+$0xB0];
	v38 =	vmul.f32 v40, v38  }
0x63: {  	v28 =	vld [tilespmem:s28+$0xC0];
	v37 =	vnsel vm1, $0x5368D4A5, v30;
	v35 =	vmul.f32 v39, v36  }
0x64: {  	v29 =	vld [tilespmem:s28+$0xD0];
	v36 =	vmul.f32 v40, v38;
	v21 =	vmul.f32 v37, v21  }
0x65: {  	v22 =	vmul.f32 v37, v22;
	v26 =	vmul.f32 v37, v26;
	v30 =	vld [tilespmem:s28+$0xE0];
	v38 =	vsub.f32 $1.500000000e+00, v35  }
0x66: {  	s26 =	sadd.s32 $0x4, s26;
	v35 =	vld [tilespmem:s28+$0xF0];
	v41 =	vsub.f32 $1.500000000e+00, v36;
	[tilespmem:s25+$0xFFFFFF80] =	vst v21;
	v21 =	vmul.f32 v37, v24;
	v24 =	vmul.f32 v37, v25  }
0x67: {  	p0 =	slt.u32 s26, $0x7C;
	v42 =	vld [tilespmem:s28+$0xFFFFFF10];
	[tilespmem:s25+$0xFFFFFF90] =	vst v22;
	v22 =	vmul.f32 v37, v23;
	v23 =	vmul.f32 v39, v38  }
0x68: {  	v43 =	vmul.f32 v32, v32;
	v25 =	vmul.f32 v31, v31;
	v39 =	vld [tilespmem:s28+$0xFFFFFF20];
	[tilespmem:s25+$0xFFFFFFA0] =	vst v26  }
0x69: {  	v45 =	vmul.f32 v33, v33;
	v26 =	vmul.f32 v34, v34;
	v44 =	vld [tilespmem:s28+$0xFFFFFF30];
	[tilespmem:s25+$0xFFFFFFB0] =	vst v21;
	v36 =	vnsel vm2, $0x5368D4A5, v23  }
0x6a: {  	v21 =	vmul.f32 v28, v28;
	v23 =	vmul.f32 v29, v29;
	v46 =	vld [tilespmem:s28+$0xFFFFFF40];
	[tilespmem:s25+$0xFFFFFFC0] =	vst v24  }
0x6b: {  	v24 =	vmul.f32 v30, v30;
	v47 =	vld [tilespmem:s28+$0xFFFFFF50];
	v48 =	vmul.f32 v35, v35;
	[tilespmem:s25+$0xFFFFFFD0] =	vst v22  }
0x6c: {  	v25 =	vadd.f32 v43, v25;
	v26 =	vadd.f32 v45, v26;
	v49 =	vld [tilespmem:s28+$0xFFFFFF60];
	v38 =	vmul.f32 v42, v42  }
0x6d: {  	v23 =	vadd.f32 v23, v21;
	v43 =	vld [tilespmem:s28+$0xFFFFFF70];
	v45 =	vmul.f32 v39, v39;
	v24 =	vadd.f32 v48, v24  }
0x6e: {  	v40 =	vmul.f32 v40, v41;
	v48 =	vmul.f32 v44, v44;
	v21 =	vld [tilespmem:s28+$0xFFFFFF80]  }
0x6f: {  	v25 =	vadd.f32 v26, v25;
	v41 =	vmul.f32 v46, v46;
	v22 =	vld [tilespmem:s28+$0xFFFFFF90];
	v23 =	vadd.f32 v24, v23  }
0x70: {  	v40 =	vnsel vm0, $0x5368D4A5, v40;
	v50 =	vmul.f32 v47, v47;
	v45 =	vadd.f32 v48, v45;
	v26 =	vld [tilespmem:s28+$0xFFFFFFA0]  }
0x71: {  	v27 =	vmul.f32 v40, v27;
	v48 =	vmul.f32 v49, v49;
	v24 =	vld [tilespmem:s28+$0xFFFFFFB0];
	v51 =	vadd.f32 v23, v25  }
0x72: {  	v52 =	vmul.f32 v43, v43;
	v41 =	vadd.f32 v50, v41;
	v25 =	vld [tilespmem:s28+$0xFFFFFFC0];
	v50 =	vmul.f32 v40, v8;
	v8 =	vmovc v42  }
0x73: {  	v23 =	vld [tilespmem:s28+$0xFFFFFFD0];
	v42 =	vmul.f32 v21, v21;
	v53 =	vperm.xlane v51, v0;
	[tilespmem:s25+$0xFFFFFF00] =	vst v27  }
0x74: {  	v27 =	vadd.f32 v52, v48;
	v48 =	vld [tilespmem:s28+$0xFFFFFFE0];
	v52 =	vmul.f32 v22, v22;
	[tilespmem:s25+$0xFFFFFF10] =	vst v50;
	v50 =	vmul.f32 v40, v9  }
0x75: {  	v56 =	vmul.f32 v40, v10;
	v9 =	vmovc v39;
	v54 =	vld [tilespmem:s28+$0xFFFFFFF0];
	v55 =	vmul.f32 v26, v26;
	v51 =	vadd.f32 v51, v53  }
0x76: {  	v39 =	vadd.f32 v27, v41;
	v27 =	vmul.f32 v24, v24;
	v41 =	vadd.f32 v52, v42;
	v42 =	vld [tilespmem:s28+$0x0];
	[tilespmem:s25+$0xFFFFFF20] =	vst v50  }
0x77: {  	v10 =	vmov v44;
	v50 =	vmul.f32 v25, v25;
	v52 =	vld [tilespmem:s28+$0x10];
	v53 =	vperm.xlane v51, v1;
	[tilespmem:s25+$0xFFFFFF30] =	vst v56  }
0x78: {  	v56 =	vmul.f32 v40, v4;
	v4 =	vmovc v46;
	v44 =	vmul.f32 v23, v23;
	v27 =	vadd.f32 v27, v55;
	v55 =	vld [tilespmem:s28+$0x20]  }
0x79: {  	v46 =	vmul.f32 v48, v48;
	v57 =	vld [tilespmem:s28+$0x30];
	v51 =	vadd.f32 v51, v53;
	v53 =	vmul.f32 v40, v5;
	v5 =	vmovc v47  }
0x7a: {  	v47 =	vmul.f32 v54, v54;
	v44 =	vadd.f32 v44, v50;
	v41 =	vadd.f32 v27, v41;
	v50 =	vld [tilespmem:s28+$0x40];
	[tilespmem:s25+$0xFFFFFF40] =	vst v56  }
0x7b: {  	v56 =	vld [tilespmem:s28+$0x50];
	v58 =	vmul.f32 v42, v42;
	v27 =	vperm.xlane v51, v2;
	[tilespmem:s25+$0xFFFFFF50] =	vst v53  }
0x7c: {  	v59 =	vmul.f32 v40, v6;
	v6 =	vmovc v49;
	v46 =	vadd.f32 v47, v46;
	v47 =	vld [tilespmem:s28+$0x60];
	v53 =	vmul.f32 v52, v52  }
0x7d: {  	v40 =	vmul.f32 v40, v7;
	v7 =	vmovc v43;
	v49 =	vld [tilespmem:s28+$0x70];
	v60 =	vmul.f32 v55, v55;
	v51 =	vadd.f32 v51, v27  }
0x7e: {  	v27 =	vld [tilespmem:s28+$0xFFFFFF00];
	v43 =	vadd.f32 v46, v44;
	v44 =	vmul.f32 v57, v57  }
0x7f: {  	v46 =	vadd.f32 v53, v58;
	[tilespmem:s25+$0xFFFFFF60] =	vst v59;
	v53 =	vmul.f32 v50, v50;
	v58 =	vperm.xlane v51, v3  }
0x80: {  	[tilespmem:s25+$0xFFFFFF70] =	vst v40;
	v40 =	vadd.f32 v43, v41;
	v41 =	vmul.f32 v56, v56;
	v43 =	vadd.f32 v44, v60  }
0x81: {  	v44 =	vmul.f32 v47, v47;
	v51 =	vadd.f32 v51, v58;
	v58 =	vmul.f32 v37, v11  }
0x82: {  	v11 =	vmovc v48;
	v48 =	vmul.f32 v49, v49;
	v41 =	vadd.f32 v41, v53;
	v43 =	vadd.f32 v43, v46  }
0x83: {  	v46 =	vmul.f32 v27, v27;
	v53 =	vshrl.u32 v51, $0x1;
	v59 =	vmul.f32 $5.000000000e-01, v51  }
0x84: {  	[tilespmem:s25+$0xFFFFFFE0] =	vst v58;
	v58 =	vperm.xlane v40, v0;
	v44 =	vadd.f32 v48, v44;
	v48 =	vsub.s32 $0x5F3759DF, v53  }
0x85: {  	v38 =	vadd.f32 v38, v46;
	v46 =	vmul.f32 v48, v59  }
0x86: {  	v37 =	vmul.f32 v37, v12;
	v12 =	vmovc v54;
	v40 =	vadd.f32 v40, v58;
	v41 =	vadd.f32 v44, v41  }
0x87: {  	v44 =	vmul.f32 v36, v13;
	v13 =	vmovc v42;
	v38 =	vadd.f32 v45, v38;
	v42 =	vmul.f32 v48, v46  }
0x88: {  	[tilespmem:s25+$0xFFFFFFF0] =	vst v37;
	v45 =	vmul.f32 v36, v16;
	v37 =	vperm.xlane v40, v1;
	v41 =	vadd.f32 v41, v43  }
0x89: {  	[tilespmem:s25+$0x0] =	vst v44;
	v43 =	vmul.f32 v36, v18;
	v44 =	vmul.f32 v36, v17;
	v38 =	vadd.f32 v39, v38  }
0x8a: {  	v16 =	vmovc v52;
	v39 =	vsub.f32 $1.500000000e+00, v42;
	[tilespmem:s25+$0x10] =	vst v45;
	v37 =	vadd.f32 v40, v37;
	v40 =	vperm.xlane v41, v0  }
0x8b: {  	v18 =	vmovc v55;
	v17 =	vmov v57;
	v45 =	vmul.f32 v36, v19;
	[tilespmem:s25+$0x20] =	vst v43;
	v42 =	vperm.xlane v38, v0  }
0x8c: {  	v39 =	vmul.f32 v48, v39;
	[tilespmem:s25+$0x30] =	vst v44;
	v43 =	vperm.xlane v37, v2;
	v40 =	vadd.f32 v41, v40  }
0x8d: {  	vm0 =	vgt.f32 v51, $1.000000020e-24;
	v19 =	vmovc v50;
	[tilespmem:s25+$0x40] =	vst v45;
	v41 =	vmul.f32 v36, v14;
	v38 =	vadd.f32 v38, v42  }
0x8e: {  	v14 =	vmovc v56;
	v39 =	vnsel vm0, $0x5368D4A5, v39;
	v37 =	vadd.f32 v37, v43;
	v42 =	vperm.xlane v40, v1  }
0x8f: {  	v35 =	vmul.f32 v39, v35;
	v43 =	vperm.xlane v38, v1  }
0x90: {  	[tilespmem:s25+$0x50] =	vst v41;
	v41 =	vmul.f32 v36, v15;
	v15 =	vmov v47;
	v44 =	vperm.xlane v37, v3  }
0x91: {  	v31 =	vmul.f32 v39, v31;
	v40 =	vadd.f32 v40, v42;
	[tilespmem:s28+$0xF0] =	vst v35;
	v42 =	vmul.f32 v36, v20  }
0x92: {  	v32 =	vmul.f32 v39, v32;
	v35 =	vadd.f32 v38, v43;
	[tilespmem:s25+$0x60] =	vst v41;
	v36 =	vadd.f32 v37, v44  }
0x93: {  	v34 =	vmul.f32 v39, v34;
	v37 =	vperm.xlane v40, v2;
	[tilespmem:s25+$0x70] =	vst v42;
	s25 =	smov.u32 s28  }
0x94: {  	v20 =	vmovc v49;
	v38 =	vperm.xlane v35, v2;
	[tilespmem:s28+$0x80] =	vst v31;
	v31 =	vmul.f32 v39, v33;
	v33 =	vshrl.u32 v36, $0x1  }
0x95: {  	v41 =	vmul.f32 $5.000000000e-01, v36;
	vm1 =	vgt.f32 v36, $1.000000020e-24;
	v37 =	vadd.f32 v40, v37;
	[tilespmem:s28+$0x90] =	vst v32  }
.Ltmp0:
0x96: {  	v33 =	vsub.s32 $0x5F3759DF, v33;
	v38 =	vadd.f32 v35, v38;
	[tilespmem:s28+$0xA0] =	vst v34;
	(pc) =	sbr.rel @p0 .LBB2_2-.Ltmp0, $4  }
0x97: {  	v32 =	vmul.f32 v33, v41;
	v35 =	vperm.xlane v37, v3;
	[tilespmem:s28+$0xB0] =	vst v31  }
0x98: {  	v28 =	vmul.f32 v39, v28;
	v31 =	vperm.xlane v38, v3  }
0x99: {  	v34 =	vmul.f32 v33, v32;
	v32 =	vmul.f32 v39, v29;
	v35 =	vadd.f32 v37, v35  }
0x9a: {  	s28 =	sadd.s32 $0x200, s28;
	v29 =	vadd.f32 v38, v31;
	[tilespmem:s25+$0xC0] =	vst v28;
	v28 =	vmul.f32 v39, v30  }
0x9b: {  	_ = 	snop  }
0x9c: {  	v30 =	vsub.f32 $1.500000000e+00, v34;
	v31 =	vshrl.u32 v29, $0x1;
	v55 =	vmul.f32 $5.000000000e-01, v29  }
0x9d: {  	v31 =	vsub.s32 $0x5F3759DF, v31  }
0x9e: {  	v30 =	vmul.f32 v33, v30;
	v56 =	vmul.f32 v31, v55;
	_ =	sdelay $0x1  }
0x9f: {  	v30 =	vnsel vm1, $0x5368D4A5, v30;
	v33 =	vmul.f32 v31, v56  }
0xa0: {  	[tilespmem:s25+$0xD0] =	vst v32;
	v21 =	vmul.f32 v30, v21  }
0xa1: {  	[tilespmem:s25+$0xE0] =	vst v28;
	v22 =	vmul.f32 v30, v22;
	v28 =	vsub.f32 $1.500000000e+00, v33  }
0xa2: {  	v26 =	vmul.f32 v30, v26;
	[tilespmem:s25+$0xFFFFFF80] =	vst v21  }
0xa3: {  	v21 =	vmul.f32 v30, v24;
	[tilespmem:s25+$0xFFFFFF90] =	vst v22;
	v22 =	vmul.f32 v31, v28  }
0xa4: {  	vm0 =	vgt.f32 v29, $1.000000020e-24;
	v25 =	vmul.f32 v30, v25;
	v23 =	vmul.f32 v30, v23;
	[tilespmem:s25+$0xFFFFFFA0] =	vst v26  }
0xa5: {  	v24 =	vshrl.u32 v35, $0x1;
	v26 =	vmul.f32 $5.000000000e-01, v35;
	[tilespmem:s25+$0xFFFFFFB0] =	vst v21;
	v21 =	vnsel vm0, $0x5368D4A5, v22  }
0xa6: {  	[tilespmem:s25+$0xFFFFFFC0] =	vst v25;
	v22 =	vsub.s32 $0x5F3759DF, v24;
	v24 =	vmul.f32 v21, v27  }
0xa7: {  	[tilespmem:s25+$0xFFFFFFD0] =	vst v23;
	v25 =	vmul.f32 v22, v26;
	v8 =	vmul.f32 v21, v8  }
0xa8: {  	v9 =	vmul.f32 v21, v9;
	[tilespmem:s25+$0xFFFFFF00] =	vst v24  }
0xa9: {  	v4 =	vmul.f32 v21, v4;
	v23 =	vmul.f32 v22, v25;
	[tilespmem:s25+$0xFFFFFF10] =	vst v8  }
0xaa: {  	v5 =	vmul.f32 v21, v5;
	[tilespmem:s25+$0xFFFFFF20] =	vst v9  }
0xab: {  	v8 =	vmul.f32 v21, v10;
	[tilespmem:s25+$0xFFFFFF40] =	vst v4;
	v9 =	vsub.f32 $1.500000000e+00, v23  }
0xac: {  	v4 =	vmul.f32 v21, v6;
	[tilespmem:s25+$0xFFFFFF50] =	vst v5  }
0xad: {  	v5 =	vmul.f32 v21, v7;
	[tilespmem:s25+$0xFFFFFF30] =	vst v8;
	v6 =	vmul.f32 v22, v9  }
0xae: {  	vm0 =	vgt.f32 v35, $1.000000020e-24;
	[tilespmem:s25+$0xFFFFFF60] =	vst v4;
	v4 =	vmul.f32 v30, v11  }
0xaf: {  	[tilespmem:s25+$0xFFFFFF70] =	vst v5;
	v5 =	vmul.f32 v30, v12;
	v6 =	vnsel vm0, $0x5368D4A5, v6  }
0xb0: {  	[tilespmem:s25+$0xFFFFFFE0] =	vst v4;
	v4 =	vmul.f32 v6, v13  }
0xb1: {  	[tilespmem:s25+$0xFFFFFFF0] =	vst v5;
	v5 =	vmul.f32 v6, v16  }
0xb2: {  	[tilespmem:s25+$0x0] =	vst v4;
	v4 =	vmul.f32 v6, v18  }
0xb3: {  	[tilespmem:s25+$0x10] =	vst v5;
	v5 =	vmul.f32 v6, v17  }
0xb4: {  	[tilespmem:s25+$0x20] =	vst v4;
	v4 =	vmul.f32 v6, v19  }
0xb5: {  	[tilespmem:s25+$0x30] =	vst v5;
	v5 =	vmul.f32 v6, v14  }
0xb6: {  	[tilespmem:s25+$0x40] =	vst v4;
	v4 =	vmul.f32 v6, v15  }
0xb7: {  	[tilespmem:s25+$0x50] =	vst v5;
	v5 =	vmul.f32 v6, v20  }
0xb8: {  	[tilespmem:s25+$0x60] =	vst v4  }
0xb9: {  	[tilespmem:s25+$0x70] =	vst v5  }
0xba: {  	[hbm4b:s6+s2] =	stream.linear.scatter [tilespmem:s13], [sflag:$0x5], $0x4000, $0x38;
	[tilespmem:$0x10200] =	vst v63  }
0xbb: {  	_ =	swait.ge [sflag:s20], $0x4000  }
0xbc: {  	[sflag:s20] =	ssyncset.done $0x0  }
0xbd: {  	s25 =	simm.s32 $0x4200;
	[sflag:s20] =	ssyncadd.s32 $0xFFFFC000  }
0xbe: {  	v32 =	vld [tilespmem:s25+$0x180]  }
0xbf: {  	v33 =	vld [tilespmem:s25+$0x190]  }
0xc0: {  	v34 =	vld [tilespmem:s25+$0x1A0]  }
0xc1: {  	v31 =	vld [tilespmem:s25+$0x1B0]  }
0xc2: {  	v30 =	vld [tilespmem:s25+$0x1C0]  }
0xc3: {  	v29 =	vld [tilespmem:s25+$0x1D0]  }
0xc4: {  	v28 =	vld [tilespmem:s25+$0x1E0]  }
0xc5: {  	v35 =	vld [tilespmem:s25+$0x1F0]  }
0xc6: {  	v8 =	vld [tilespmem:s25+$0x10]  }
0xc7: {  	v9 =	vld [tilespmem:s25+$0x20]  }
0xc8: {  	v10 =	vld [tilespmem:s25+$0x30]  }
0xc9: {  	v4 =	vld [tilespmem:s25+$0x40]  }
0xca: {  	v5 =	vld [tilespmem:s25+$0x50]  }
0xcb: {  	v6 =	vld [tilespmem:s25+$0x60];
	v11 =	vmul.f32 v32, v32;
	v12 =	vmul.f32 v33, v33  }
0xcc: {  	v7 =	vld [tilespmem:s25+$0x70];
	v13 =	vmul.f32 v34, v34;
	v14 =	vmul.f32 v31, v31  }
0xcd: {  	v21 =	vld [tilespmem:s25+$0x80];
	v15 =	vmul.f32 v30, v30;
	v16 =	vmul.f32 v29, v29  }
0xce: {  	v22 =	vld [tilespmem:s25+$0x90];
	v17 =	vmul.f32 v28, v28;
	v18 =	vmul.f32 v35, v35  }
0xcf: {  	v26 =	vld [tilespmem:s25+$0xA0];
	v11 =	vadd.f32 v12, v11;
	v12 =	vadd.f32 v14, v13  }
0xd0: {  	v24 =	vld [tilespmem:s25+$0xB0];
	v13 =	vadd.f32 v16, v15;
	v14 =	vadd.f32 v18, v17  }
0xd1: {  	v25 =	vld [tilespmem:s25+$0xC0];
	v19 =	vmul.f32 v4, v4  }
0xd2: {  	v23 =	vld [tilespmem:s25+$0xD0];
	v20 =	vmul.f32 v5, v5;
	v11 =	vadd.f32 v12, v11;
	v12 =	vadd.f32 v14, v13  }
0xd3: {  	v27 =	vmul.f32 v6, v6;
	v36 =	vmul.f32 v7, v7;
	v18 =	vld [tilespmem:s25+$0x120]  }
0xd4: {  	v37 =	vmul.f32 v21, v21;
	v40 =	vadd.f32 v20, v19;
	v19 =	vld [tilespmem:s25+$0x140];
	v14 =	vadd.f32 v12, v11  }
0xd5: {  	v39 =	vmul.f32 v26, v26;
	v15 =	vmul.f32 v9, v9;
	v11 =	vld [tilespmem:s25+$0xE0]  }
0xd6: {  	v17 =	vmul.f32 v10, v10;
	v12 =	vld [tilespmem:s25+$0xF0];
	v16 =	vperm.xlane v14, v0  }
0xd7: {  	v42 =	vmul.f32 v23, v23;
	v20 =	vmul.f32 v24, v24;
	v13 =	vld [tilespmem:s25+$0x100]  }
0xd8: {  	v48 =	vmul.f32 v8, v8;
	v38 =	vadd.f32 v17, v15;
	v17 =	vld [tilespmem:s25+$0x130];
	v14 =	vadd.f32 v14, v16  }
0xd9: {  	v36 =	vadd.f32 v36, v27;
	v27 =	vmul.f32 v25, v25;
	v39 =	vadd.f32 v20, v39;
	v20 =	vld [tilespmem:s25+$0x170]  }
0xda: {  	v15 =	vmul.f32 v22, v22;
	v16 =	vld [tilespmem:s25+$0x110];
	v41 =	vperm.xlane v14, v1  }
0xdb: {  	v42 =	vadd.f32 v42, v27;
	v27 =	vld [tilespmem:s25+$0x0];
	v43 =	vmul.f32 v11, v11;
	v44 =	vmul.f32 v12, v12  }
0xdc: {  	v37 =	vadd.f32 v15, v37;
	v15 =	vld [tilespmem:s25+$0x160];
	v46 =	vmul.f32 v18, v18;
	v41 =	vadd.f32 v14, v41  }
0xdd: {  	v60 =	vmul.f32 v19, v19;
	v57 =	vmul.f32 v13, v13;
	v43 =	vadd.f32 v44, v43;
	v14 =	vld [tilespmem:s25+$0x150]  }
0xde: {  	v37 =	vadd.f32 v39, v37;
	v59 =	vmul.f32 v17, v17;
	v45 =	vperm.xlane v41, v2  }
0xdf: {  	v47 =	vmul.f32 v20, v20;
	v58 =	vmul.f32 v16, v16;
	v42 =	vadd.f32 v43, v42  }
0xe0: {  	v63 =	vmul.f32 v27, v27;
	v43 =	vadd.f32 v59, v46;
	v41 =	vadd.f32 v41, v45  }
0xe1: {  	v62 =	vmul.f32 v15, v15;
	v39 =	vadd.f32 v58, v57;
	v37 =	vadd.f32 v42, v37  }
0xe2: {  	v61 =	vmul.f32 v14, v14;
	v45 =	vperm.xlane v41, v3  }
0xe3: {  	v46 =	vadd.f32 v47, v62;
	v49 =	vperm.xlane v37, v0;
	v39 =	vadd.f32 v43, v39  }
0xe4: {  	v42 =	vadd.f32 v61, v60;
	v41 =	vadd.f32 v41, v45  }
0xe5: {  	v37 =	vadd.f32 v37, v49;
	v45 =	vadd.f32 v48, v63  }
0xe6: {  	v42 =	vadd.f32 v46, v42;
	v50 =	vshrl.u32 v41, $0x1;
	v51 =	vmul.f32 $5.000000000e-01, v41  }
0xe7: {  	v36 =	vadd.f32 v36, v40;
	v38 =	vadd.f32 v38, v45;
	v52 =	vsub.s32 $0x5F3759DF, v50  }
0xe8: {  	v44 =	vperm.xlane v37, v1;
	v39 =	vadd.f32 v42, v39;
	v43 =	vmul.f32 v52, v51  }
0xe9: {  	v36 =	vadd.f32 v36, v38  }
0xea: {  	v37 =	vadd.f32 v37, v44;
	v42 =	vperm.xlane v39, v0;
	v53 =	vmul.f32 v52, v43  }
0xeb: {  	v54 =	vperm.xlane v36, v0  }
0xec: {  	v44 =	vperm.xlane v37, v2;
	v39 =	vadd.f32 v39, v42;
	v38 =	vsub.f32 $1.500000000e+00, v53  }
0xed: {  	v36 =	vadd.f32 v36, v54  }
0xee: {  	v37 =	vadd.f32 v37, v44;
	v55 =	vperm.xlane v39, v1;
	v38 =	vmul.f32 v52, v38  }
0xef: {  	vm0 =	vgt.f32 v41, $1.000000020e-24;
	v56 =	vperm.xlane v36, v1  }
0xf0: {  	v57 =	vperm.xlane v37, v3;
	v39 =	vadd.f32 v39, v55;
	v38 =	vnsel vm0, $0x5368D4A5, v38  }
0xf1: {  	v36 =	vadd.f32 v36, v56;
	v35 =	vmul.f32 v38, v35;
	v32 =	vmul.f32 v38, v32  }
0xf2: {  	v37 =	vadd.f32 v37, v57;
	v58 =	vmul.f32 v38, v33;
	v59 =	vperm.xlane v39, v2  }
0xf3: {  	v34 =	vmul.f32 v38, v34;
	v41 =	vperm.xlane v36, v2  }
0xf4: {  	v60 =	vshrl.u32 v37, $0x1;
	v42 =	vmul.f32 $5.000000000e-01, v37;
	[tilespmem:s25+$0x1F0] =	vst v35;
	v39 =	vadd.f32 v39, v59  }
0xf5: {  	v31 =	vmul.f32 v38, v31;
	v33 =	vsub.s32 $0x5F3759DF, v60;
	[tilespmem:s25+$0x180] =	vst v32;
	v36 =	vadd.f32 v36, v41  }
0xf6: {  	[tilespmem:s25+$0x190] =	vst v58;
	v61 =	vmul.f32 v33, v42;
	v62 =	vperm.xlane v39, v3  }
0xf7: {  	v30 =	vmul.f32 v38, v30;
	[tilespmem:s25+$0x1A0] =	vst v34;
	v63 =	vperm.xlane v36, v3  }
0xf8: {  	[tilespmem:s25+$0x1B0] =	vst v31;
	v32 =	vmul.f32 v38, v29;
	v34 =	vmul.f32 v33, v61;
	v35 =	vadd.f32 v39, v62  }
0xf9: {  	s26 =	simm.s32 $0x80;
	s28 =	simm.s32 $0x4400;
	vm1 =	vgt.f32 v37, $1.000000020e-24;
	v28 =	vmul.f32 v38, v28;
	[tilespmem:s25+$0x1C0] =	vst v30;
	v29 =	vadd.f32 v36, v63  }
.LBB2_4:
0xfa: {  	v31 =	vld [tilespmem:s28+$0x180];
	v30 =	vsub.f32 $1.500000000e+00, v34;
	v34 =	vshrl.u32 v35, $0x1;
	v36 =	vmul.f32 $5.000000000e-01, v35;
	[tilespmem:s25+$0x1D0] =	vst v32  }
0xfb: {  	v32 =	vld [tilespmem:s28+$0x190];
	v37 =	vshrl.u32 v29, $0x1;
	v38 =	vmul.f32 $5.000000000e-01, v29;
	v39 =	vsub.s32 $0x5F3759DF, v34;
	[tilespmem:s25+$0x1E0] =	vst v28  }
0xfc: {  	v34 =	vld [tilespmem:s28+$0x1A0];
	v40 =	vsub.s32 $0x5F3759DF, v37;
	v30 =	vmul.f32 v33, v30;
	v36 =	vmul.f32 v39, v36  }
0xfd: {  	vm2 =	vgt.f32 v35, $1.000000020e-24;
	vm0 =	vgt.f32 v29, $1.000000020e-24;
	v33 =	vld [tilespmem:s28+$0x1B0];
	v38 =	vmul.f32 v40, v38  }
0xfe: {  	v28 =	vld [tilespmem:s28+$0x1C0];
	v37 =	vnsel vm1, $0x5368D4A5, v30;
	v35 =	vmul.f32 v39, v36  }
0xff: {  	v29 =	vld [tilespmem:s28+$0x1D0];
	v36 =	vmul.f32 v40, v38;
	v21 =	vmul.f32 v37, v21  }
0x100: {  	v22 =	vmul.f32 v37, v22;
	v26 =	vmul.f32 v37, v26;
	v30 =	vld [tilespmem:s28+$0x1E0];
	v38 =	vsub.f32 $1.500000000e+00, v35  }
0x101: {  	s26 =	sadd.s32 $0x4, s26;
	v35 =	vld [tilespmem:s28+$0x1F0];
	v41 =	vsub.f32 $1.500000000e+00, v36;
	[tilespmem:s25+$0x80] =	vst v21;
	v21 =	vmul.f32 v37, v24;
	v24 =	vmul.f32 v37, v25  }
0x102: {  	p0 =	slt.u32 s26, $0xFC;
	v42 =	vld [tilespmem:s28+$0x10];
	[tilespmem:s25+$0x90] =	vst v22;
	v22 =	vmul.f32 v37, v23;
	v23 =	vmul.f32 v39, v38  }
0x103: {  	v43 =	vmul.f32 v32, v32;
	v25 =	vmul.f32 v31, v31;
	v39 =	vld [tilespmem:s28+$0x20];
	[tilespmem:s25+$0xA0] =	vst v26  }
0x104: {  	v45 =	vmul.f32 v33, v33;
	v26 =	vmul.f32 v34, v34;
	v44 =	vld [tilespmem:s28+$0x30];
	[tilespmem:s25+$0xB0] =	vst v21;
	v36 =	vnsel vm2, $0x5368D4A5, v23  }
0x105: {  	v21 =	vmul.f32 v28, v28;
	v23 =	vmul.f32 v29, v29;
	v46 =	vld [tilespmem:s28+$0x40];
	[tilespmem:s25+$0xC0] =	vst v24  }
0x106: {  	v24 =	vmul.f32 v30, v30;
	v47 =	vld [tilespmem:s28+$0x50];
	v48 =	vmul.f32 v35, v35;
	[tilespmem:s25+$0xD0] =	vst v22  }
0x107: {  	v25 =	vadd.f32 v43, v25;
	v26 =	vadd.f32 v45, v26;
	v49 =	vld [tilespmem:s28+$0x60];
	v38 =	vmul.f32 v42, v42  }
0x108: {  	v23 =	vadd.f32 v23, v21;
	v43 =	vld [tilespmem:s28+$0x70];
	v45 =	vmul.f32 v39, v39;
	v24 =	vadd.f32 v48, v24  }
0x109: {  	v40 =	vmul.f32 v40, v41;
	v48 =	vmul.f32 v44, v44;
	v21 =	vld [tilespmem:s28+$0x80]  }
0x10a: {  	v25 =	vadd.f32 v26, v25;
	v41 =	vmul.f32 v46, v46;
	v22 =	vld [tilespmem:s28+$0x90];
	v23 =	vadd.f32 v24, v23  }
0x10b: {  	v40 =	vnsel vm0, $0x5368D4A5, v40;
	v50 =	vmul.f32 v47, v47;
	v45 =	vadd.f32 v48, v45;
	v26 =	vld [tilespmem:s28+$0xA0]  }
0x10c: {  	v27 =	vmul.f32 v40, v27;
	v48 =	vmul.f32 v49, v49;
	v24 =	vld [tilespmem:s28+$0xB0];
	v51 =	vadd.f32 v23, v25  }
0x10d: {  	v52 =	vmul.f32 v43, v43;
	v41 =	vadd.f32 v50, v41;
	v25 =	vld [tilespmem:s28+$0xC0];
	v50 =	vmul.f32 v40, v8;
	v8 =	vmovc v42  }
0x10e: {  	v23 =	vld [tilespmem:s28+$0xD0];
	v42 =	vmul.f32 v21, v21;
	v53 =	vperm.xlane v51, v0;
	[tilespmem:s25+$0x0] =	vst v27  }
0x10f: {  	v27 =	vadd.f32 v52, v48;
	v48 =	vld [tilespmem:s28+$0xE0];
	v52 =	vmul.f32 v22, v22;
	[tilespmem:s25+$0x10] =	vst v50;
	v50 =	vmul.f32 v40, v9  }
0x110: {  	v56 =	vmul.f32 v40, v10;
	v9 =	vmovc v39;
	v54 =	vld [tilespmem:s28+$0xF0];
	v55 =	vmul.f32 v26, v26;
	v51 =	vadd.f32 v51, v53  }
0x111: {  	v39 =	vadd.f32 v27, v41;
	v27 =	vmul.f32 v24, v24;
	v41 =	vadd.f32 v52, v42;
	v42 =	vld [tilespmem:s28+$0x100];
	[tilespmem:s25+$0x20] =	vst v50  }
0x112: {  	v10 =	vmov v44;
	v50 =	vmul.f32 v25, v25;
	v52 =	vld [tilespmem:s28+$0x110];
	v53 =	vperm.xlane v51, v1;
	[tilespmem:s25+$0x30] =	vst v56  }
0x113: {  	v56 =	vmul.f32 v40, v4;
	v4 =	vmovc v46;
	v44 =	vmul.f32 v23, v23;
	v27 =	vadd.f32 v27, v55;
	v55 =	vld [tilespmem:s28+$0x120]  }
0x114: {  	v46 =	vmul.f32 v48, v48;
	v57 =	vld [tilespmem:s28+$0x130];
	v51 =	vadd.f32 v51, v53;
	v53 =	vmul.f32 v40, v5;
	v5 =	vmovc v47  }
0x115: {  	v47 =	vmul.f32 v54, v54;
	v44 =	vadd.f32 v44, v50;
	v41 =	vadd.f32 v27, v41;
	v50 =	vld [tilespmem:s28+$0x140];
	[tilespmem:s25+$0x40] =	vst v56  }
0x116: {  	v56 =	vld [tilespmem:s28+$0x150];
	v58 =	vmul.f32 v42, v42;
	v27 =	vperm.xlane v51, v2;
	[tilespmem:s25+$0x50] =	vst v53  }
0x117: {  	v59 =	vmul.f32 v40, v6;
	v6 =	vmovc v49;
	v46 =	vadd.f32 v47, v46;
	v47 =	vld [tilespmem:s28+$0x160];
	v53 =	vmul.f32 v52, v52  }
0x118: {  	v40 =	vmul.f32 v40, v7;
	v7 =	vmovc v43;
	v49 =	vld [tilespmem:s28+$0x170];
	v60 =	vmul.f32 v55, v55;
	v51 =	vadd.f32 v51, v27  }
0x119: {  	v27 =	vld [tilespmem:s28+$0x0];
	v43 =	vadd.f32 v46, v44;
	v44 =	vmul.f32 v57, v57  }
0x11a: {  	v46 =	vadd.f32 v53, v58;
	[tilespmem:s25+$0x60] =	vst v59;
	v53 =	vmul.f32 v50, v50;
	v58 =	vperm.xlane v51, v3  }
0x11b: {  	[tilespmem:s25+$0x70] =	vst v40;
	v40 =	vadd.f32 v43, v41;
	v41 =	vmul.f32 v56, v56;
	v43 =	vadd.f32 v44, v60  }
0x11c: {  	v44 =	vmul.f32 v47, v47;
	v51 =	vadd.f32 v51, v58;
	v58 =	vmul.f32 v37, v11  }
0x11d: {  	v11 =	vmovc v48;
	v48 =	vmul.f32 v49, v49;
	v41 =	vadd.f32 v41, v53;
	v43 =	vadd.f32 v43, v46  }
0x11e: {  	v46 =	vmul.f32 v27, v27;
	v53 =	vshrl.u32 v51, $0x1;
	v59 =	vmul.f32 $5.000000000e-01, v51  }
0x11f: {  	[tilespmem:s25+$0xE0] =	vst v58;
	v58 =	vperm.xlane v40, v0;
	v44 =	vadd.f32 v48, v44;
	v48 =	vsub.s32 $0x5F3759DF, v53  }
0x120: {  	v38 =	vadd.f32 v38, v46;
	v46 =	vmul.f32 v48, v59  }
0x121: {  	v37 =	vmul.f32 v37, v12;
	v12 =	vmovc v54;
	v40 =	vadd.f32 v40, v58;
	v41 =	vadd.f32 v44, v41  }
0x122: {  	v44 =	vmul.f32 v36, v13;
	v13 =	vmovc v42;
	v38 =	vadd.f32 v45, v38;
	v42 =	vmul.f32 v48, v46  }
0x123: {  	[tilespmem:s25+$0xF0] =	vst v37;
	v45 =	vmul.f32 v36, v16;
	v37 =	vperm.xlane v40, v1;
	v41 =	vadd.f32 v41, v43  }
0x124: {  	[tilespmem:s25+$0x100] =	vst v44;
	v43 =	vmul.f32 v36, v18;
	v44 =	vmul.f32 v36, v17;
	v38 =	vadd.f32 v39, v38  }
0x125: {  	v16 =	vmovc v52;
	v39 =	vsub.f32 $1.500000000e+00, v42;
	[tilespmem:s25+$0x110] =	vst v45;
	v37 =	vadd.f32 v40, v37;
	v40 =	vperm.xlane v41, v0  }
0x126: {  	v18 =	vmovc v55;
	v17 =	vmov v57;
	v45 =	vmul.f32 v36, v19;
	[tilespmem:s25+$0x120] =	vst v43;
	v42 =	vperm.xlane v38, v0  }
0x127: {  	v39 =	vmul.f32 v48, v39;
	[tilespmem:s25+$0x130] =	vst v44;
	v43 =	vperm.xlane v37, v2;
	v40 =	vadd.f32 v41, v40  }
0x128: {  	vm0 =	vgt.f32 v51, $1.000000020e-24;
	v19 =	vmovc v50;
	[tilespmem:s25+$0x140] =	vst v45;
	v41 =	vmul.f32 v36, v14;
	v38 =	vadd.f32 v38, v42  }
0x129: {  	v14 =	vmovc v56;
	v39 =	vnsel vm0, $0x5368D4A5, v39;
	v37 =	vadd.f32 v37, v43;
	v42 =	vperm.xlane v40, v1  }
0x12a: {  	v35 =	vmul.f32 v39, v35;
	v43 =	vperm.xlane v38, v1  }
0x12b: {  	[tilespmem:s25+$0x150] =	vst v41;
	v41 =	vmul.f32 v36, v15;
	v15 =	vmov v47;
	v44 =	vperm.xlane v37, v3  }
0x12c: {  	v31 =	vmul.f32 v39, v31;
	v40 =	vadd.f32 v40, v42;
	[tilespmem:s28+$0x1F0] =	vst v35;
	v42 =	vmul.f32 v36, v20  }
0x12d: {  	v32 =	vmul.f32 v39, v32;
	v35 =	vadd.f32 v38, v43;
	[tilespmem:s25+$0x160] =	vst v41;
	v36 =	vadd.f32 v37, v44  }
0x12e: {  	v34 =	vmul.f32 v39, v34;
	v37 =	vperm.xlane v40, v2;
	[tilespmem:s25+$0x170] =	vst v42;
	s25 =	smov.u32 s28  }
0x12f: {  	v20 =	vmovc v49;
	v38 =	vperm.xlane v35, v2;
	[tilespmem:s28+$0x180] =	vst v31;
	v31 =	vmul.f32 v39, v33;
	v33 =	vshrl.u32 v36, $0x1  }
0x130: {  	v41 =	vmul.f32 $5.000000000e-01, v36;
	vm1 =	vgt.f32 v36, $1.000000020e-24;
	v37 =	vadd.f32 v40, v37;
	[tilespmem:s28+$0x190] =	vst v32  }
.Ltmp1:
0x131: {  	v33 =	vsub.s32 $0x5F3759DF, v33;
	v38 =	vadd.f32 v35, v38;
	[tilespmem:s28+$0x1A0] =	vst v34;
	(pc) =	sbr.rel @p0 .LBB2_4-.Ltmp1, $4  }
0x132: {  	v32 =	vmul.f32 v33, v41;
	v35 =	vperm.xlane v37, v3;
	[tilespmem:s28+$0x1B0] =	vst v31  }
0x133: {  	v28 =	vmul.f32 v39, v28;
	v31 =	vperm.xlane v38, v3  }
0x134: {  	v34 =	vmul.f32 v33, v32;
	v32 =	vmul.f32 v39, v29;
	v35 =	vadd.f32 v37, v35  }
0x135: {  	s28 =	sadd.s32 $0x200, s28;
	v29 =	vadd.f32 v38, v31;
	[tilespmem:s25+$0x1C0] =	vst v28;
	v28 =	vmul.f32 v39, v30  }
0x136: {  	_ = 	snop  }
0x137: {  	v30 =	vsub.f32 $1.500000000e+00, v34;
	v31 =	vshrl.u32 v29, $0x1;
	v55 =	vmul.f32 $5.000000000e-01, v29  }
0x138: {  	v31 =	vsub.s32 $0x5F3759DF, v31  }
0x139: {  	v30 =	vmul.f32 v33, v30;
	v56 =	vmul.f32 v31, v55;
	_ =	sdelay $0x1  }
0x13a: {  	v30 =	vnsel vm1, $0x5368D4A5, v30;
	v33 =	vmul.f32 v31, v56  }
0x13b: {  	[tilespmem:s25+$0x1D0] =	vst v32;
	v21 =	vmul.f32 v30, v21  }
0x13c: {  	[tilespmem:s25+$0x1E0] =	vst v28;
	v22 =	vmul.f32 v30, v22;
	v28 =	vsub.f32 $1.500000000e+00, v33  }
0x13d: {  	v26 =	vmul.f32 v30, v26;
	[tilespmem:s25+$0x80] =	vst v21  }
0x13e: {  	v21 =	vmul.f32 v30, v24;
	[tilespmem:s25+$0x90] =	vst v22;
	v22 =	vmul.f32 v31, v28  }
0x13f: {  	vm0 =	vgt.f32 v29, $1.000000020e-24;
	v25 =	vmul.f32 v30, v25;
	v23 =	vmul.f32 v30, v23;
	[tilespmem:s25+$0xA0] =	vst v26  }
0x140: {  	v24 =	vshrl.u32 v35, $0x1;
	v26 =	vmul.f32 $5.000000000e-01, v35;
	[tilespmem:s25+$0xB0] =	vst v21;
	v21 =	vnsel vm0, $0x5368D4A5, v22  }
0x141: {  	[tilespmem:s25+$0xC0] =	vst v25;
	v22 =	vsub.s32 $0x5F3759DF, v24;
	v24 =	vmul.f32 v21, v27  }
0x142: {  	[tilespmem:s25+$0xD0] =	vst v23;
	v25 =	vmul.f32 v22, v26;
	v8 =	vmul.f32 v21, v8  }
0x143: {  	v9 =	vmul.f32 v21, v9;
	[tilespmem:s25+$0x0] =	vst v24  }
0x144: {  	v4 =	vmul.f32 v21, v4;
	v23 =	vmul.f32 v22, v25;
	[tilespmem:s25+$0x10] =	vst v8  }
0x145: {  	v5 =	vmul.f32 v21, v5;
	[tilespmem:s25+$0x20] =	vst v9  }
0x146: {  	v8 =	vmul.f32 v21, v10;
	[tilespmem:s25+$0x40] =	vst v4;
	v9 =	vsub.f32 $1.500000000e+00, v23  }
0x147: {  	v4 =	vmul.f32 v21, v6;
	[tilespmem:s25+$0x50] =	vst v5  }
0x148: {  	v5 =	vmul.f32 v21, v7;
	[tilespmem:s25+$0x30] =	vst v8;
	v6 =	vmul.f32 v22, v9  }
0x149: {  	vm0 =	vgt.f32 v35, $1.000000020e-24;
	[tilespmem:s25+$0x60] =	vst v4;
	v4 =	vmul.f32 v30, v11  }
0x14a: {  	[tilespmem:s25+$0x70] =	vst v5;
	v5 =	vmul.f32 v30, v12;
	v6 =	vnsel vm0, $0x5368D4A5, v6  }
0x14b: {  	[tilespmem:s25+$0xE0] =	vst v4;
	v4 =	vmul.f32 v6, v13  }
0x14c: {  	[tilespmem:s25+$0xF0] =	vst v5;
	v5 =	vmul.f32 v6, v16  }
0x14d: {  	[tilespmem:s25+$0x100] =	vst v4;
	v4 =	vmul.f32 v6, v18  }
0x14e: {  	[tilespmem:s25+$0x110] =	vst v5;
	v5 =	vmul.f32 v6, v17  }
0x14f: {  	[tilespmem:s25+$0x120] =	vst v4;
	v4 =	vmul.f32 v6, v19  }
0x150: {  	[tilespmem:s25+$0x130] =	vst v5;
	v5 =	vmul.f32 v6, v14  }
0x151: {  	[tilespmem:s25+$0x140] =	vst v4;
	v4 =	vmul.f32 v6, v15  }
0x152: {  	[tilespmem:s25+$0x150] =	vst v5;
	v5 =	vmul.f32 v6, v20  }
0x153: {  	[tilespmem:s25+$0x160] =	vst v4  }
0x154: {  	[tilespmem:s25+$0x170] =	vst v5  }
0x155: {  	[hbm4b:s7+s2] =	stream.linear.scatter [tilespmem:s14], [sflag:$0x5], $0x4000, $0x38;
	[tilespmem:$0x10200] =	vst v63  }
0x156: {  	_ =	swait.ge [sflag:s21], $0x4000  }
0x157: {  	[sflag:s21] =	ssyncset.done $0x0  }
0x158: {  	s25 =	simm.s32 $0x8200;
	[sflag:s21] =	ssyncadd.s32 $0xFFFFC000  }
0x159: {  	v32 =	vld [tilespmem:s25+$0x180]  }
0x15a: {  	v33 =	vld [tilespmem:s25+$0x190]  }
0x15b: {  	v34 =	vld [tilespmem:s25+$0x1A0]  }
0x15c: {  	v31 =	vld [tilespmem:s25+$0x1B0]  }
0x15d: {  	v30 =	vld [tilespmem:s25+$0x1C0]  }
0x15e: {  	v29 =	vld [tilespmem:s25+$0x1D0]  }
0x15f: {  	v28 =	vld [tilespmem:s25+$0x1E0]  }
0x160: {  	v35 =	vld [tilespmem:s25+$0x1F0]  }
0x161: {  	v8 =	vld [tilespmem:s25+$0x10]  }
0x162: {  	v9 =	vld [tilespmem:s25+$0x20]  }
0x163: {  	v10 =	vld [tilespmem:s25+$0x30]  }
0x164: {  	v4 =	vld [tilespmem:s25+$0x40]  }
0x165: {  	v5 =	vld [tilespmem:s25+$0x50]  }
0x166: {  	v6 =	vld [tilespmem:s25+$0x60];
	v11 =	vmul.f32 v32, v32;
	v12 =	vmul.f32 v33, v33  }
0x167: {  	v7 =	vld [tilespmem:s25+$0x70];
	v13 =	vmul.f32 v34, v34;
	v14 =	vmul.f32 v31, v31  }
0x168: {  	v21 =	vld [tilespmem:s25+$0x80];
	v15 =	vmul.f32 v30, v30;
	v16 =	vmul.f32 v29, v29  }
0x169: {  	v22 =	vld [tilespmem:s25+$0x90];
	v17 =	vmul.f32 v28, v28;
	v18 =	vmul.f32 v35, v35  }
0x16a: {  	v26 =	vld [tilespmem:s25+$0xA0];
	v11 =	vadd.f32 v12, v11;
	v12 =	vadd.f32 v14, v13  }
0x16b: {  	v24 =	vld [tilespmem:s25+$0xB0];
	v13 =	vadd.f32 v16, v15;
	v14 =	vadd.f32 v18, v17  }
0x16c: {  	v25 =	vld [tilespmem:s25+$0xC0];
	v19 =	vmul.f32 v4, v4  }
0x16d: {  	v23 =	vld [tilespmem:s25+$0xD0];
	v20 =	vmul.f32 v5, v5;
	v11 =	vadd.f32 v12, v11;
	v12 =	vadd.f32 v14, v13  }
0x16e: {  	v27 =	vmul.f32 v6, v6;
	v36 =	vmul.f32 v7, v7;
	v18 =	vld [tilespmem:s25+$0x120]  }
0x16f: {  	v37 =	vmul.f32 v21, v21;
	v40 =	vadd.f32 v20, v19;
	v19 =	vld [tilespmem:s25+$0x140];
	v14 =	vadd.f32 v12, v11  }
0x170: {  	v39 =	vmul.f32 v26, v26;
	v15 =	vmul.f32 v9, v9;
	v11 =	vld [tilespmem:s25+$0xE0]  }
0x171: {  	v17 =	vmul.f32 v10, v10;
	v12 =	vld [tilespmem:s25+$0xF0];
	v16 =	vperm.xlane v14, v0  }
0x172: {  	v42 =	vmul.f32 v23, v23;
	v20 =	vmul.f32 v24, v24;
	v13 =	vld [tilespmem:s25+$0x100]  }
0x173: {  	v48 =	vmul.f32 v8, v8;
	v38 =	vadd.f32 v17, v15;
	v17 =	vld [tilespmem:s25+$0x130];
	v14 =	vadd.f32 v14, v16  }
0x174: {  	v36 =	vadd.f32 v36, v27;
	v27 =	vmul.f32 v25, v25;
	v39 =	vadd.f32 v20, v39;
	v20 =	vld [tilespmem:s25+$0x170]  }
0x175: {  	v15 =	vmul.f32 v22, v22;
	v16 =	vld [tilespmem:s25+$0x110];
	v41 =	vperm.xlane v14, v1  }
0x176: {  	v42 =	vadd.f32 v42, v27;
	v27 =	vld [tilespmem:s25+$0x0];
	v43 =	vmul.f32 v11, v11;
	v44 =	vmul.f32 v12, v12  }
0x177: {  	v37 =	vadd.f32 v15, v37;
	v15 =	vld [tilespmem:s25+$0x160];
	v46 =	vmul.f32 v18, v18;
	v41 =	vadd.f32 v14, v41  }
0x178: {  	v60 =	vmul.f32 v19, v19;
	v57 =	vmul.f32 v13, v13;
	v43 =	vadd.f32 v44, v43;
	v14 =	vld [tilespmem:s25+$0x150]  }
0x179: {  	v37 =	vadd.f32 v39, v37;
	v59 =	vmul.f32 v17, v17;
	v45 =	vperm.xlane v41, v2  }
0x17a: {  	v47 =	vmul.f32 v20, v20;
	v58 =	vmul.f32 v16, v16;
	v42 =	vadd.f32 v43, v42  }
0x17b: {  	v63 =	vmul.f32 v27, v27;
	v43 =	vadd.f32 v59, v46;
	v41 =	vadd.f32 v41, v45  }
0x17c: {  	v62 =	vmul.f32 v15, v15;
	v39 =	vadd.f32 v58, v57;
	v37 =	vadd.f32 v42, v37  }
0x17d: {  	v61 =	vmul.f32 v14, v14;
	v45 =	vperm.xlane v41, v3  }
0x17e: {  	v46 =	vadd.f32 v47, v62;
	v49 =	vperm.xlane v37, v0;
	v39 =	vadd.f32 v43, v39  }
0x17f: {  	v42 =	vadd.f32 v61, v60;
	v41 =	vadd.f32 v41, v45  }
0x180: {  	v37 =	vadd.f32 v37, v49;
	v45 =	vadd.f32 v48, v63  }
0x181: {  	v42 =	vadd.f32 v46, v42;
	v50 =	vshrl.u32 v41, $0x1;
	v51 =	vmul.f32 $5.000000000e-01, v41  }
0x182: {  	v36 =	vadd.f32 v36, v40;
	v38 =	vadd.f32 v38, v45;
	v52 =	vsub.s32 $0x5F3759DF, v50  }
0x183: {  	v44 =	vperm.xlane v37, v1;
	v39 =	vadd.f32 v42, v39;
	v43 =	vmul.f32 v52, v51  }
0x184: {  	v36 =	vadd.f32 v36, v38  }
0x185: {  	v37 =	vadd.f32 v37, v44;
	v42 =	vperm.xlane v39, v0;
	v53 =	vmul.f32 v52, v43  }
0x186: {  	v54 =	vperm.xlane v36, v0  }
0x187: {  	v44 =	vperm.xlane v37, v2;
	v39 =	vadd.f32 v39, v42;
	v38 =	vsub.f32 $1.500000000e+00, v53  }
0x188: {  	v36 =	vadd.f32 v36, v54  }
0x189: {  	v37 =	vadd.f32 v37, v44;
	v55 =	vperm.xlane v39, v1;
	v38 =	vmul.f32 v52, v38  }
0x18a: {  	vm0 =	vgt.f32 v41, $1.000000020e-24;
	v56 =	vperm.xlane v36, v1  }
0x18b: {  	v57 =	vperm.xlane v37, v3;
	v39 =	vadd.f32 v39, v55;
	v38 =	vnsel vm0, $0x5368D4A5, v38  }
0x18c: {  	v36 =	vadd.f32 v36, v56;
	v35 =	vmul.f32 v38, v35;
	v32 =	vmul.f32 v38, v32  }
0x18d: {  	v37 =	vadd.f32 v37, v57;
	v58 =	vmul.f32 v38, v33;
	v59 =	vperm.xlane v39, v2  }
0x18e: {  	v34 =	vmul.f32 v38, v34;
	v41 =	vperm.xlane v36, v2  }
0x18f: {  	v60 =	vshrl.u32 v37, $0x1;
	v42 =	vmul.f32 $5.000000000e-01, v37;
	[tilespmem:s25+$0x1F0] =	vst v35;
	v39 =	vadd.f32 v39, v59  }
0x190: {  	v31 =	vmul.f32 v38, v31;
	v33 =	vsub.s32 $0x5F3759DF, v60;
	[tilespmem:s25+$0x180] =	vst v32;
	v36 =	vadd.f32 v36, v41  }
0x191: {  	[tilespmem:s25+$0x190] =	vst v58;
	v61 =	vmul.f32 v33, v42;
	v62 =	vperm.xlane v39, v3  }
0x192: {  	v30 =	vmul.f32 v38, v30;
	[tilespmem:s25+$0x1A0] =	vst v34;
	v63 =	vperm.xlane v36, v3  }
0x193: {  	[tilespmem:s25+$0x1B0] =	vst v31;
	v32 =	vmul.f32 v38, v29;
	v34 =	vmul.f32 v33, v61;
	v35 =	vadd.f32 v39, v62  }
0x194: {  	s26 =	simm.s32 $0x100;
	s28 =	simm.s32 $0x8400;
	vm1 =	vgt.f32 v37, $1.000000020e-24;
	v28 =	vmul.f32 v38, v28;
	[tilespmem:s25+$0x1C0] =	vst v30;
	v29 =	vadd.f32 v36, v63  }
.LBB2_6:
0x195: {  	v31 =	vld [tilespmem:s28+$0x180];
	v30 =	vsub.f32 $1.500000000e+00, v34;
	v34 =	vshrl.u32 v35, $0x1;
	v36 =	vmul.f32 $5.000000000e-01, v35;
	[tilespmem:s25+$0x1D0] =	vst v32  }
0x196: {  	v32 =	vld [tilespmem:s28+$0x190];
	v37 =	vshrl.u32 v29, $0x1;
	v38 =	vmul.f32 $5.000000000e-01, v29;
	v39 =	vsub.s32 $0x5F3759DF, v34;
	[tilespmem:s25+$0x1E0] =	vst v28  }
0x197: {  	v34 =	vld [tilespmem:s28+$0x1A0];
	v40 =	vsub.s32 $0x5F3759DF, v37;
	v30 =	vmul.f32 v33, v30;
	v36 =	vmul.f32 v39, v36  }
0x198: {  	vm2 =	vgt.f32 v35, $1.000000020e-24;
	vm0 =	vgt.f32 v29, $1.000000020e-24;
	v33 =	vld [tilespmem:s28+$0x1B0];
	v38 =	vmul.f32 v40, v38  }
0x199: {  	v28 =	vld [tilespmem:s28+$0x1C0];
	v37 =	vnsel vm1, $0x5368D4A5, v30;
	v35 =	vmul.f32 v39, v36  }
0x19a: {  	v29 =	vld [tilespmem:s28+$0x1D0];
	v36 =	vmul.f32 v40, v38;
	v21 =	vmul.f32 v37, v21  }
0x19b: {  	v22 =	vmul.f32 v37, v22;
	v26 =	vmul.f32 v37, v26;
	v30 =	vld [tilespmem:s28+$0x1E0];
	v38 =	vsub.f32 $1.500000000e+00, v35  }
0x19c: {  	s26 =	sadd.s32 $0x4, s26;
	v35 =	vld [tilespmem:s28+$0x1F0];
	v41 =	vsub.f32 $1.500000000e+00, v36;
	[tilespmem:s25+$0x80] =	vst v21;
	v21 =	vmul.f32 v37, v24;
	v24 =	vmul.f32 v37, v25  }
0x19d: {  	p0 =	slt.u32 s26, $0x17C;
	v42 =	vld [tilespmem:s28+$0x10];
	[tilespmem:s25+$0x90] =	vst v22;
	v22 =	vmul.f32 v37, v23;
	v23 =	vmul.f32 v39, v38  }
0x19e: {  	v43 =	vmul.f32 v32, v32;
	v25 =	vmul.f32 v31, v31;
	v39 =	vld [tilespmem:s28+$0x20];
	[tilespmem:s25+$0xA0] =	vst v26  }
0x19f: {  	v45 =	vmul.f32 v33, v33;
	v26 =	vmul.f32 v34, v34;
	v44 =	vld [tilespmem:s28+$0x30];
	[tilespmem:s25+$0xB0] =	vst v21;
	v36 =	vnsel vm2, $0x5368D4A5, v23  }
0x1a0: {  	v21 =	vmul.f32 v28, v28;
	v23 =	vmul.f32 v29, v29;
	v46 =	vld [tilespmem:s28+$0x40];
	[tilespmem:s25+$0xC0] =	vst v24  }
0x1a1: {  	v24 =	vmul.f32 v30, v30;
	v47 =	vld [tilespmem:s28+$0x50];
	v48 =	vmul.f32 v35, v35;
	[tilespmem:s25+$0xD0] =	vst v22  }
0x1a2: {  	v25 =	vadd.f32 v43, v25;
	v26 =	vadd.f32 v45, v26;
	v49 =	vld [tilespmem:s28+$0x60];
	v38 =	vmul.f32 v42, v42  }
0x1a3: {  	v23 =	vadd.f32 v23, v21;
	v43 =	vld [tilespmem:s28+$0x70];
	v45 =	vmul.f32 v39, v39;
	v24 =	vadd.f32 v48, v24  }
0x1a4: {  	v40 =	vmul.f32 v40, v41;
	v48 =	vmul.f32 v44, v44;
	v21 =	vld [tilespmem:s28+$0x80]  }
0x1a5: {  	v25 =	vadd.f32 v26, v25;
	v41 =	vmul.f32 v46, v46;
	v22 =	vld [tilespmem:s28+$0x90];
	v23 =	vadd.f32 v24, v23  }
0x1a6: {  	v40 =	vnsel vm0, $0x5368D4A5, v40;
	v50 =	vmul.f32 v47, v47;
	v45 =	vadd.f32 v48, v45;
	v26 =	vld [tilespmem:s28+$0xA0]  }
0x1a7: {  	v27 =	vmul.f32 v40, v27;
	v48 =	vmul.f32 v49, v49;
	v24 =	vld [tilespmem:s28+$0xB0];
	v51 =	vadd.f32 v23, v25  }
0x1a8: {  	v52 =	vmul.f32 v43, v43;
	v41 =	vadd.f32 v50, v41;
	v25 =	vld [tilespmem:s28+$0xC0];
	v50 =	vmul.f32 v40, v8;
	v8 =	vmovc v42  }
0x1a9: {  	v23 =	vld [tilespmem:s28+$0xD0];
	v42 =	vmul.f32 v21, v21;
	v53 =	vperm.xlane v51, v0;
	[tilespmem:s25+$0x0] =	vst v27  }
0x1aa: {  	v27 =	vadd.f32 v52, v48;
	v48 =	vld [tilespmem:s28+$0xE0];
	v52 =	vmul.f32 v22, v22;
	[tilespmem:s25+$0x10] =	vst v50;
	v50 =	vmul.f32 v40, v9  }
0x1ab: {  	v56 =	vmul.f32 v40, v10;
	v9 =	vmovc v39;
	v54 =	vld [tilespmem:s28+$0xF0];
	v55 =	vmul.f32 v26, v26;
	v51 =	vadd.f32 v51, v53  }
0x1ac: {  	v39 =	vadd.f32 v27, v41;
	v27 =	vmul.f32 v24, v24;
	v41 =	vadd.f32 v52, v42;
	v42 =	vld [tilespmem:s28+$0x100];
	[tilespmem:s25+$0x20] =	vst v50  }
0x1ad: {  	v10 =	vmov v44;
	v50 =	vmul.f32 v25, v25;
	v52 =	vld [tilespmem:s28+$0x110];
	v53 =	vperm.xlane v51, v1;
	[tilespmem:s25+$0x30] =	vst v56  }
0x1ae: {  	v56 =	vmul.f32 v40, v4;
	v4 =	vmovc v46;
	v44 =	vmul.f32 v23, v23;
	v27 =	vadd.f32 v27, v55;
	v55 =	vld [tilespmem:s28+$0x120]  }
0x1af: {  	v46 =	vmul.f32 v48, v48;
	v57 =	vld [tilespmem:s28+$0x130];
	v51 =	vadd.f32 v51, v53;
	v53 =	vmul.f32 v40, v5;
	v5 =	vmovc v47  }
0x1b0: {  	v47 =	vmul.f32 v54, v54;
	v44 =	vadd.f32 v44, v50;
	v41 =	vadd.f32 v27, v41;
	v50 =	vld [tilespmem:s28+$0x140];
	[tilespmem:s25+$0x40] =	vst v56  }
0x1b1: {  	v56 =	vld [tilespmem:s28+$0x150];
	v58 =	vmul.f32 v42, v42;
	v27 =	vperm.xlane v51, v2;
	[tilespmem:s25+$0x50] =	vst v53  }
0x1b2: {  	v59 =	vmul.f32 v40, v6;
	v6 =	vmovc v49;
	v46 =	vadd.f32 v47, v46;
	v47 =	vld [tilespmem:s28+$0x160];
	v53 =	vmul.f32 v52, v52  }
0x1b3: {  	v40 =	vmul.f32 v40, v7;
	v7 =	vmovc v43;
	v49 =	vld [tilespmem:s28+$0x170];
	v60 =	vmul.f32 v55, v55;
	v51 =	vadd.f32 v51, v27  }
0x1b4: {  	v27 =	vld [tilespmem:s28+$0x0];
	v43 =	vadd.f32 v46, v44;
	v44 =	vmul.f32 v57, v57  }
0x1b5: {  	v46 =	vadd.f32 v53, v58;
	[tilespmem:s25+$0x60] =	vst v59;
	v53 =	vmul.f32 v50, v50;
	v58 =	vperm.xlane v51, v3  }
0x1b6: {  	[tilespmem:s25+$0x70] =	vst v40;
	v40 =	vadd.f32 v43, v41;
	v41 =	vmul.f32 v56, v56;
	v43 =	vadd.f32 v44, v60  }
0x1b7: {  	v44 =	vmul.f32 v47, v47;
	v51 =	vadd.f32 v51, v58;
	v58 =	vmul.f32 v37, v11  }
0x1b8: {  	v11 =	vmovc v48;
	v48 =	vmul.f32 v49, v49;
	v41 =	vadd.f32 v41, v53;
	v43 =	vadd.f32 v43, v46  }
0x1b9: {  	v46 =	vmul.f32 v27, v27;
	v53 =	vshrl.u32 v51, $0x1;
	v59 =	vmul.f32 $5.000000000e-01, v51  }
0x1ba: {  	[tilespmem:s25+$0xE0] =	vst v58;
	v58 =	vperm.xlane v40, v0;
	v44 =	vadd.f32 v48, v44;
	v48 =	vsub.s32 $0x5F3759DF, v53  }
0x1bb: {  	v38 =	vadd.f32 v38, v46;
	v46 =	vmul.f32 v48, v59  }
0x1bc: {  	v37 =	vmul.f32 v37, v12;
	v12 =	vmovc v54;
	v40 =	vadd.f32 v40, v58;
	v41 =	vadd.f32 v44, v41  }
0x1bd: {  	v44 =	vmul.f32 v36, v13;
	v13 =	vmovc v42;
	v38 =	vadd.f32 v45, v38;
	v42 =	vmul.f32 v48, v46  }
0x1be: {  	[tilespmem:s25+$0xF0] =	vst v37;
	v45 =	vmul.f32 v36, v16;
	v37 =	vperm.xlane v40, v1;
	v41 =	vadd.f32 v41, v43  }
0x1bf: {  	[tilespmem:s25+$0x100] =	vst v44;
	v43 =	vmul.f32 v36, v18;
	v44 =	vmul.f32 v36, v17;
	v38 =	vadd.f32 v39, v38  }
0x1c0: {  	v16 =	vmovc v52;
	v39 =	vsub.f32 $1.500000000e+00, v42;
	[tilespmem:s25+$0x110] =	vst v45;
	v37 =	vadd.f32 v40, v37;
	v40 =	vperm.xlane v41, v0  }
0x1c1: {  	v18 =	vmovc v55;
	v17 =	vmov v57;
	v45 =	vmul.f32 v36, v19;
	[tilespmem:s25+$0x120] =	vst v43;
	v42 =	vperm.xlane v38, v0  }
0x1c2: {  	v39 =	vmul.f32 v48, v39;
	[tilespmem:s25+$0x130] =	vst v44;
	v43 =	vperm.xlane v37, v2;
	v40 =	vadd.f32 v41, v40  }
0x1c3: {  	vm0 =	vgt.f32 v51, $1.000000020e-24;
	v19 =	vmovc v50;
	[tilespmem:s25+$0x140] =	vst v45;
	v41 =	vmul.f32 v36, v14;
	v38 =	vadd.f32 v38, v42  }
0x1c4: {  	v14 =	vmovc v56;
	v39 =	vnsel vm0, $0x5368D4A5, v39;
	v37 =	vadd.f32 v37, v43;
	v42 =	vperm.xlane v40, v1  }
0x1c5: {  	v35 =	vmul.f32 v39, v35;
	v43 =	vperm.xlane v38, v1  }
0x1c6: {  	[tilespmem:s25+$0x150] =	vst v41;
	v41 =	vmul.f32 v36, v15;
	v15 =	vmov v47;
	v44 =	vperm.xlane v37, v3  }
0x1c7: {  	v31 =	vmul.f32 v39, v31;
	v40 =	vadd.f32 v40, v42;
	[tilespmem:s28+$0x1F0] =	vst v35;
	v42 =	vmul.f32 v36, v20  }
0x1c8: {  	v32 =	vmul.f32 v39, v32;
	v35 =	vadd.f32 v38, v43;
	[tilespmem:s25+$0x160] =	vst v41;
	v36 =	vadd.f32 v37, v44  }
0x1c9: {  	v34 =	vmul.f32 v39, v34;
	v37 =	vperm.xlane v40, v2;
	[tilespmem:s25+$0x170] =	vst v42;
	s25 =	smov.u32 s28  }
0x1ca: {  	v20 =	vmovc v49;
	v38 =	vperm.xlane v35, v2;
	[tilespmem:s28+$0x180] =	vst v31;
	v31 =	vmul.f32 v39, v33;
	v33 =	vshrl.u32 v36, $0x1  }
0x1cb: {  	v41 =	vmul.f32 $5.000000000e-01, v36;
	vm1 =	vgt.f32 v36, $1.000000020e-24;
	v37 =	vadd.f32 v40, v37;
	[tilespmem:s28+$0x190] =	vst v32  }
.Ltmp2:
0x1cc: {  	v33 =	vsub.s32 $0x5F3759DF, v33;
	v38 =	vadd.f32 v35, v38;
	[tilespmem:s28+$0x1A0] =	vst v34;
	(pc) =	sbr.rel @p0 .LBB2_6-.Ltmp2, $4  }
0x1cd: {  	v32 =	vmul.f32 v33, v41;
	v35 =	vperm.xlane v37, v3;
	[tilespmem:s28+$0x1B0] =	vst v31  }
0x1ce: {  	v28 =	vmul.f32 v39, v28;
	v31 =	vperm.xlane v38, v3  }
0x1cf: {  	v34 =	vmul.f32 v33, v32;
	v32 =	vmul.f32 v39, v29;
	v35 =	vadd.f32 v37, v35  }
0x1d0: {  	s28 =	sadd.s32 $0x200, s28;
	v29 =	vadd.f32 v38, v31;
	[tilespmem:s25+$0x1C0] =	vst v28;
	v28 =	vmul.f32 v39, v30  }
0x1d1: {  	_ = 	snop  }
0x1d2: {  	v30 =	vsub.f32 $1.500000000e+00, v34;
	v31 =	vshrl.u32 v29, $0x1;
	v55 =	vmul.f32 $5.000000000e-01, v29  }
0x1d3: {  	v31 =	vsub.s32 $0x5F3759DF, v31  }
0x1d4: {  	v30 =	vmul.f32 v33, v30;
	v56 =	vmul.f32 v31, v55;
	_ =	sdelay $0x1  }
0x1d5: {  	v30 =	vnsel vm1, $0x5368D4A5, v30;
	v33 =	vmul.f32 v31, v56  }
0x1d6: {  	[tilespmem:s25+$0x1D0] =	vst v32;
	v21 =	vmul.f32 v30, v21  }
0x1d7: {  	[tilespmem:s25+$0x1E0] =	vst v28;
	v22 =	vmul.f32 v30, v22;
	v28 =	vsub.f32 $1.500000000e+00, v33  }
0x1d8: {  	v26 =	vmul.f32 v30, v26;
	[tilespmem:s25+$0x80] =	vst v21  }
0x1d9: {  	v21 =	vmul.f32 v30, v24;
	[tilespmem:s25+$0x90] =	vst v22;
	v22 =	vmul.f32 v31, v28  }
0x1da: {  	vm0 =	vgt.f32 v29, $1.000000020e-24;
	v25 =	vmul.f32 v30, v25;
	v23 =	vmul.f32 v30, v23;
	[tilespmem:s25+$0xA0] =	vst v26  }
0x1db: {  	v24 =	vshrl.u32 v35, $0x1;
	v26 =	vmul.f32 $5.000000000e-01, v35;
	[tilespmem:s25+$0xB0] =	vst v21;
	v21 =	vnsel vm0, $0x5368D4A5, v22  }
0x1dc: {  	[tilespmem:s25+$0xC0] =	vst v25;
	v22 =	vsub.s32 $0x5F3759DF, v24;
	v24 =	vmul.f32 v21, v27  }
0x1dd: {  	[tilespmem:s25+$0xD0] =	vst v23;
	v25 =	vmul.f32 v22, v26;
	v8 =	vmul.f32 v21, v8  }
0x1de: {  	v9 =	vmul.f32 v21, v9;
	[tilespmem:s25+$0x0] =	vst v24  }
0x1df: {  	v4 =	vmul.f32 v21, v4;
	v23 =	vmul.f32 v22, v25;
	[tilespmem:s25+$0x10] =	vst v8  }
0x1e0: {  	v5 =	vmul.f32 v21, v5;
	[tilespmem:s25+$0x20] =	vst v9  }
0x1e1: {  	v8 =	vmul.f32 v21, v10;
	[tilespmem:s25+$0x40] =	vst v4;
	v9 =	vsub.f32 $1.500000000e+00, v23  }
0x1e2: {  	v4 =	vmul.f32 v21, v6;
	[tilespmem:s25+$0x50] =	vst v5  }
0x1e3: {  	v5 =	vmul.f32 v21, v7;
	[tilespmem:s25+$0x30] =	vst v8;
	v6 =	vmul.f32 v22, v9  }
0x1e4: {  	vm0 =	vgt.f32 v35, $1.000000020e-24;
	[tilespmem:s25+$0x60] =	vst v4;
	v4 =	vmul.f32 v30, v11  }
0x1e5: {  	[tilespmem:s25+$0x70] =	vst v5;
	v5 =	vmul.f32 v30, v12;
	v6 =	vnsel vm0, $0x5368D4A5, v6  }
0x1e6: {  	[tilespmem:s25+$0xE0] =	vst v4;
	v4 =	vmul.f32 v6, v13  }
0x1e7: {  	[tilespmem:s25+$0xF0] =	vst v5;
	v5 =	vmul.f32 v6, v16  }
0x1e8: {  	[tilespmem:s25+$0x100] =	vst v4;
	v4 =	vmul.f32 v6, v18  }
0x1e9: {  	[tilespmem:s25+$0x110] =	vst v5;
	v5 =	vmul.f32 v6, v17  }
0x1ea: {  	[tilespmem:s25+$0x120] =	vst v4;
	v4 =	vmul.f32 v6, v19  }
0x1eb: {  	[tilespmem:s25+$0x130] =	vst v5;
	v5 =	vmul.f32 v6, v14  }
0x1ec: {  	[tilespmem:s25+$0x140] =	vst v4;
	v4 =	vmul.f32 v6, v15  }
0x1ed: {  	[tilespmem:s25+$0x150] =	vst v5;
	v5 =	vmul.f32 v6, v20  }
0x1ee: {  	[tilespmem:s25+$0x160] =	vst v4  }
0x1ef: {  	[tilespmem:s25+$0x170] =	vst v5  }
0x1f0: {  	[hbm4b:s8+s2] =	stream.linear.scatter [tilespmem:s16], [sflag:$0x5], $0x4000, $0x38;
	[tilespmem:$0x10200] =	vst v63  }
0x1f1: {  	_ =	swait.ge [sflag:s22], $0x4000  }
0x1f2: {  	[sflag:s22] =	ssyncset.done $0x0  }
0x1f3: {  	s25 =	simm.s32 $0xC200;
	[sflag:s22] =	ssyncadd.s32 $0xFFFFC000  }
0x1f4: {  	v32 =	vld [tilespmem:s25+$0x180]  }
0x1f5: {  	v33 =	vld [tilespmem:s25+$0x190]  }
0x1f6: {  	v34 =	vld [tilespmem:s25+$0x1A0]  }
0x1f7: {  	v31 =	vld [tilespmem:s25+$0x1B0]  }
0x1f8: {  	v30 =	vld [tilespmem:s25+$0x1C0]  }
0x1f9: {  	v29 =	vld [tilespmem:s25+$0x1D0]  }
0x1fa: {  	v28 =	vld [tilespmem:s25+$0x1E0]  }
0x1fb: {  	v35 =	vld [tilespmem:s25+$0x1F0]  }
0x1fc: {  	v8 =	vld [tilespmem:s25+$0x10]  }
0x1fd: {  	v9 =	vld [tilespmem:s25+$0x20]  }
0x1fe: {  	v10 =	vld [tilespmem:s25+$0x30]  }
0x1ff: {  	v4 =	vld [tilespmem:s25+$0x40]  }
0x200: {  	v5 =	vld [tilespmem:s25+$0x50]  }
0x201: {  	v6 =	vld [tilespmem:s25+$0x60];
	v11 =	vmul.f32 v32, v32;
	v12 =	vmul.f32 v33, v33  }
0x202: {  	v7 =	vld [tilespmem:s25+$0x70];
	v13 =	vmul.f32 v34, v34;
	v14 =	vmul.f32 v31, v31  }
0x203: {  	v21 =	vld [tilespmem:s25+$0x80];
	v15 =	vmul.f32 v30, v30;
	v16 =	vmul.f32 v29, v29  }
0x204: {  	v22 =	vld [tilespmem:s25+$0x90];
	v17 =	vmul.f32 v28, v28;
	v18 =	vmul.f32 v35, v35  }
0x205: {  	v26 =	vld [tilespmem:s25+$0xA0];
	v11 =	vadd.f32 v12, v11;
	v12 =	vadd.f32 v14, v13  }
0x206: {  	v24 =	vld [tilespmem:s25+$0xB0];
	v13 =	vadd.f32 v16, v15;
	v14 =	vadd.f32 v18, v17  }
0x207: {  	v25 =	vld [tilespmem:s25+$0xC0];
	v19 =	vmul.f32 v4, v4  }
0x208: {  	v23 =	vld [tilespmem:s25+$0xD0];
	v20 =	vmul.f32 v5, v5;
	v11 =	vadd.f32 v12, v11;
	v12 =	vadd.f32 v14, v13  }
0x209: {  	v27 =	vmul.f32 v6, v6;
	v36 =	vmul.f32 v7, v7;
	v18 =	vld [tilespmem:s25+$0x120]  }
0x20a: {  	v37 =	vmul.f32 v21, v21;
	v40 =	vadd.f32 v20, v19;
	v19 =	vld [tilespmem:s25+$0x140];
	v14 =	vadd.f32 v12, v11  }
0x20b: {  	v39 =	vmul.f32 v26, v26;
	v15 =	vmul.f32 v9, v9;
	v11 =	vld [tilespmem:s25+$0xE0]  }
0x20c: {  	v17 =	vmul.f32 v10, v10;
	v12 =	vld [tilespmem:s25+$0xF0];
	v16 =	vperm.xlane v14, v0  }
0x20d: {  	v42 =	vmul.f32 v23, v23;
	v20 =	vmul.f32 v24, v24;
	v13 =	vld [tilespmem:s25+$0x100]  }
0x20e: {  	v48 =	vmul.f32 v8, v8;
	v38 =	vadd.f32 v17, v15;
	v17 =	vld [tilespmem:s25+$0x130];
	v14 =	vadd.f32 v14, v16  }
0x20f: {  	v36 =	vadd.f32 v36, v27;
	v27 =	vmul.f32 v25, v25;
	v39 =	vadd.f32 v20, v39;
	v20 =	vld [tilespmem:s25+$0x170]  }
0x210: {  	v15 =	vmul.f32 v22, v22;
	v16 =	vld [tilespmem:s25+$0x110];
	v41 =	vperm.xlane v14, v1  }
0x211: {  	v42 =	vadd.f32 v42, v27;
	v27 =	vld [tilespmem:s25+$0x0];
	v43 =	vmul.f32 v11, v11;
	v44 =	vmul.f32 v12, v12  }
0x212: {  	v37 =	vadd.f32 v15, v37;
	v15 =	vld [tilespmem:s25+$0x160];
	v46 =	vmul.f32 v18, v18;
	v41 =	vadd.f32 v14, v41  }
0x213: {  	v60 =	vmul.f32 v19, v19;
	v57 =	vmul.f32 v13, v13;
	v43 =	vadd.f32 v44, v43;
	v14 =	vld [tilespmem:s25+$0x150]  }
0x214: {  	v37 =	vadd.f32 v39, v37;
	v59 =	vmul.f32 v17, v17;
	v45 =	vperm.xlane v41, v2  }
0x215: {  	v47 =	vmul.f32 v20, v20;
	v58 =	vmul.f32 v16, v16;
	v42 =	vadd.f32 v43, v42  }
0x216: {  	v63 =	vmul.f32 v27, v27;
	v43 =	vadd.f32 v59, v46;
	v41 =	vadd.f32 v41, v45  }
0x217: {  	v62 =	vmul.f32 v15, v15;
	v39 =	vadd.f32 v58, v57;
	v37 =	vadd.f32 v42, v37  }
0x218: {  	v61 =	vmul.f32 v14, v14;
	v45 =	vperm.xlane v41, v3  }
0x219: {  	v46 =	vadd.f32 v47, v62;
	v49 =	vperm.xlane v37, v0;
	v39 =	vadd.f32 v43, v39  }
0x21a: {  	v42 =	vadd.f32 v61, v60;
	v41 =	vadd.f32 v41, v45  }
0x21b: {  	v37 =	vadd.f32 v37, v49;
	v45 =	vadd.f32 v48, v63  }
0x21c: {  	v42 =	vadd.f32 v46, v42;
	v50 =	vshrl.u32 v41, $0x1;
	v51 =	vmul.f32 $5.000000000e-01, v41  }
0x21d: {  	v36 =	vadd.f32 v36, v40;
	v38 =	vadd.f32 v38, v45;
	v52 =	vsub.s32 $0x5F3759DF, v50  }
0x21e: {  	v44 =	vperm.xlane v37, v1;
	v39 =	vadd.f32 v42, v39;
	v43 =	vmul.f32 v52, v51  }
0x21f: {  	v36 =	vadd.f32 v36, v38  }
0x220: {  	v37 =	vadd.f32 v37, v44;
	v42 =	vperm.xlane v39, v0;
	v53 =	vmul.f32 v52, v43  }
0x221: {  	v54 =	vperm.xlane v36, v0  }
0x222: {  	v44 =	vperm.xlane v37, v2;
	v39 =	vadd.f32 v39, v42;
	v38 =	vsub.f32 $1.500000000e+00, v53  }
0x223: {  	v36 =	vadd.f32 v36, v54  }
0x224: {  	v37 =	vadd.f32 v37, v44;
	v55 =	vperm.xlane v39, v1;
	v38 =	vmul.f32 v52, v38  }
0x225: {  	vm0 =	vgt.f32 v41, $1.000000020e-24;
	v56 =	vperm.xlane v36, v1  }
0x226: {  	v57 =	vperm.xlane v37, v3;
	v39 =	vadd.f32 v39, v55;
	v38 =	vnsel vm0, $0x5368D4A5, v38  }
0x227: {  	v36 =	vadd.f32 v36, v56;
	v35 =	vmul.f32 v38, v35;
	v32 =	vmul.f32 v38, v32  }
0x228: {  	v37 =	vadd.f32 v37, v57;
	v58 =	vmul.f32 v38, v33;
	v59 =	vperm.xlane v39, v2  }
0x229: {  	v34 =	vmul.f32 v38, v34;
	v41 =	vperm.xlane v36, v2  }
0x22a: {  	v60 =	vshrl.u32 v37, $0x1;
	v42 =	vmul.f32 $5.000000000e-01, v37;
	[tilespmem:s25+$0x1F0] =	vst v35;
	v39 =	vadd.f32 v39, v59  }
0x22b: {  	v31 =	vmul.f32 v38, v31;
	v33 =	vsub.s32 $0x5F3759DF, v60;
	[tilespmem:s25+$0x180] =	vst v32;
	v36 =	vadd.f32 v36, v41  }
0x22c: {  	[tilespmem:s25+$0x190] =	vst v58;
	v61 =	vmul.f32 v33, v42;
	v62 =	vperm.xlane v39, v3  }
0x22d: {  	v30 =	vmul.f32 v38, v30;
	[tilespmem:s25+$0x1A0] =	vst v34;
	v63 =	vperm.xlane v36, v3  }
0x22e: {  	[tilespmem:s25+$0x1B0] =	vst v31;
	v32 =	vmul.f32 v38, v29;
	v34 =	vmul.f32 v33, v61;
	v35 =	vadd.f32 v39, v62  }
0x22f: {  	s26 =	simm.s32 $0x180;
	s28 =	simm.s32 $0xC400;
	vm1 =	vgt.f32 v37, $1.000000020e-24;
	v28 =	vmul.f32 v38, v28;
	[tilespmem:s25+$0x1C0] =	vst v30;
	v29 =	vadd.f32 v36, v63  }
.LBB2_8:
0x230: {  	v31 =	vld [tilespmem:s28+$0x180];
	v30 =	vsub.f32 $1.500000000e+00, v34;
	v34 =	vshrl.u32 v35, $0x1;
	v36 =	vmul.f32 $5.000000000e-01, v35;
	[tilespmem:s25+$0x1D0] =	vst v32  }
0x231: {  	v32 =	vld [tilespmem:s28+$0x190];
	v37 =	vshrl.u32 v29, $0x1;
	v38 =	vmul.f32 $5.000000000e-01, v29;
	v39 =	vsub.s32 $0x5F3759DF, v34;
	[tilespmem:s25+$0x1E0] =	vst v28  }
0x232: {  	v34 =	vld [tilespmem:s28+$0x1A0];
	v40 =	vsub.s32 $0x5F3759DF, v37;
	v30 =	vmul.f32 v33, v30;
	v36 =	vmul.f32 v39, v36  }
0x233: {  	vm2 =	vgt.f32 v35, $1.000000020e-24;
	vm0 =	vgt.f32 v29, $1.000000020e-24;
	v33 =	vld [tilespmem:s28+$0x1B0];
	v38 =	vmul.f32 v40, v38  }
0x234: {  	v28 =	vld [tilespmem:s28+$0x1C0];
	v37 =	vnsel vm1, $0x5368D4A5, v30;
	v35 =	vmul.f32 v39, v36  }
0x235: {  	v29 =	vld [tilespmem:s28+$0x1D0];
	v36 =	vmul.f32 v40, v38;
	v21 =	vmul.f32 v37, v21  }
0x236: {  	v22 =	vmul.f32 v37, v22;
	v26 =	vmul.f32 v37, v26;
	v30 =	vld [tilespmem:s28+$0x1E0];
	v38 =	vsub.f32 $1.500000000e+00, v35  }
0x237: {  	s26 =	sadd.s32 $0x4, s26;
	v35 =	vld [tilespmem:s28+$0x1F0];
	v41 =	vsub.f32 $1.500000000e+00, v36;
	[tilespmem:s25+$0x80] =	vst v21;
	v21 =	vmul.f32 v37, v24;
	v24 =	vmul.f32 v37, v25  }
0x238: {  	p0 =	slt.u32 s26, $0x1FC;
	v42 =	vld [tilespmem:s28+$0x10];
	[tilespmem:s25+$0x90] =	vst v22;
	v22 =	vmul.f32 v37, v23;
	v23 =	vmul.f32 v39, v38  }
0x239: {  	v43 =	vmul.f32 v32, v32;
	v25 =	vmul.f32 v31, v31;
	v39 =	vld [tilespmem:s28+$0x20];
	[tilespmem:s25+$0xA0] =	vst v26  }
0x23a: {  	v45 =	vmul.f32 v33, v33;
	v26 =	vmul.f32 v34, v34;
	v44 =	vld [tilespmem:s28+$0x30];
	[tilespmem:s25+$0xB0] =	vst v21;
	v36 =	vnsel vm2, $0x5368D4A5, v23  }
0x23b: {  	v21 =	vmul.f32 v28, v28;
	v23 =	vmul.f32 v29, v29;
	v46 =	vld [tilespmem:s28+$0x40];
	[tilespmem:s25+$0xC0] =	vst v24  }
0x23c: {  	v24 =	vmul.f32 v30, v30;
	v47 =	vld [tilespmem:s28+$0x50];
	v48 =	vmul.f32 v35, v35;
	[tilespmem:s25+$0xD0] =	vst v22  }
0x23d: {  	v25 =	vadd.f32 v43, v25;
	v26 =	vadd.f32 v45, v26;
	v49 =	vld [tilespmem:s28+$0x60];
	v38 =	vmul.f32 v42, v42  }
0x23e: {  	v23 =	vadd.f32 v23, v21;
	v43 =	vld [tilespmem:s28+$0x70];
	v45 =	vmul.f32 v39, v39;
	v24 =	vadd.f32 v48, v24  }
0x23f: {  	v40 =	vmul.f32 v40, v41;
	v48 =	vmul.f32 v44, v44;
	v21 =	vld [tilespmem:s28+$0x80]  }
0x240: {  	v25 =	vadd.f32 v26, v25;
	v41 =	vmul.f32 v46, v46;
	v22 =	vld [tilespmem:s28+$0x90];
	v23 =	vadd.f32 v24, v23  }
0x241: {  	v40 =	vnsel vm0, $0x5368D4A5, v40;
	v50 =	vmul.f32 v47, v47;
	v45 =	vadd.f32 v48, v45;
	v26 =	vld [tilespmem:s28+$0xA0]  }
0x242: {  	v27 =	vmul.f32 v40, v27;
	v48 =	vmul.f32 v49, v49;
	v24 =	vld [tilespmem:s28+$0xB0];
	v51 =	vadd.f32 v23, v25  }
0x243: {  	v52 =	vmul.f32 v43, v43;
	v41 =	vadd.f32 v50, v41;
	v25 =	vld [tilespmem:s28+$0xC0];
	v50 =	vmul.f32 v40, v8;
	v8 =	vmovc v42  }
0x244: {  	v23 =	vld [tilespmem:s28+$0xD0];
	v42 =	vmul.f32 v21, v21;
	v53 =	vperm.xlane v51, v0;
	[tilespmem:s25+$0x0] =	vst v27  }
0x245: {  	v27 =	vadd.f32 v52, v48;
	v48 =	vld [tilespmem:s28+$0xE0];
	v52 =	vmul.f32 v22, v22;
	[tilespmem:s25+$0x10] =	vst v50;
	v50 =	vmul.f32 v40, v9  }
0x246: {  	v56 =	vmul.f32 v40, v10;
	v9 =	vmovc v39;
	v54 =	vld [tilespmem:s28+$0xF0];
	v55 =	vmul.f32 v26, v26;
	v51 =	vadd.f32 v51, v53  }
0x247: {  	v39 =	vadd.f32 v27, v41;
	v27 =	vmul.f32 v24, v24;
	v41 =	vadd.f32 v52, v42;
	v42 =	vld [tilespmem:s28+$0x100];
	[tilespmem:s25+$0x20] =	vst v50  }
0x248: {  	v10 =	vmov v44;
	v50 =	vmul.f32 v25, v25;
	v52 =	vld [tilespmem:s28+$0x110];
	v53 =	vperm.xlane v51, v1;
	[tilespmem:s25+$0x30] =	vst v56  }
0x249: {  	v56 =	vmul.f32 v40, v4;
	v4 =	vmovc v46;
	v44 =	vmul.f32 v23, v23;
	v27 =	vadd.f32 v27, v55;
	v55 =	vld [tilespmem:s28+$0x120]  }
0x24a: {  	v46 =	vmul.f32 v48, v48;
	v57 =	vld [tilespmem:s28+$0x130];
	v51 =	vadd.f32 v51, v53;
	v53 =	vmul.f32 v40, v5;
	v5 =	vmovc v47  }
0x24b: {  	v47 =	vmul.f32 v54, v54;
	v44 =	vadd.f32 v44, v50;
	v41 =	vadd.f32 v27, v41;
	v50 =	vld [tilespmem:s28+$0x140];
	[tilespmem:s25+$0x40] =	vst v56  }
0x24c: {  	v56 =	vld [tilespmem:s28+$0x150];
	v58 =	vmul.f32 v42, v42;
	v27 =	vperm.xlane v51, v2;
	[tilespmem:s25+$0x50] =	vst v53  }
0x24d: {  	v59 =	vmul.f32 v40, v6;
	v6 =	vmovc v49;
	v46 =	vadd.f32 v47, v46;
	v47 =	vld [tilespmem:s28+$0x160];
	v53 =	vmul.f32 v52, v52  }
0x24e: {  	v40 =	vmul.f32 v40, v7;
	v7 =	vmovc v43;
	v49 =	vld [tilespmem:s28+$0x170];
	v60 =	vmul.f32 v55, v55;
	v51 =	vadd.f32 v51, v27  }
0x24f: {  	v27 =	vld [tilespmem:s28+$0x0];
	v43 =	vadd.f32 v46, v44;
	v44 =	vmul.f32 v57, v57  }
0x250: {  	v46 =	vadd.f32 v53, v58;
	[tilespmem:s25+$0x60] =	vst v59;
	v53 =	vmul.f32 v50, v50;
	v58 =	vperm.xlane v51, v3  }
0x251: {  	[tilespmem:s25+$0x70] =	vst v40;
	v40 =	vadd.f32 v43, v41;
	v41 =	vmul.f32 v56, v56;
	v43 =	vadd.f32 v44, v60  }
0x252: {  	v44 =	vmul.f32 v47, v47;
	v51 =	vadd.f32 v51, v58;
	v58 =	vmul.f32 v37, v11  }
0x253: {  	v11 =	vmovc v48;
	v48 =	vmul.f32 v49, v49;
	v41 =	vadd.f32 v41, v53;
	v43 =	vadd.f32 v43, v46  }
0x254: {  	v46 =	vmul.f32 v27, v27;
	v53 =	vshrl.u32 v51, $0x1;
	v59 =	vmul.f32 $5.000000000e-01, v51  }
0x255: {  	[tilespmem:s25+$0xE0] =	vst v58;
	v58 =	vperm.xlane v40, v0;
	v44 =	vadd.f32 v48, v44;
	v48 =	vsub.s32 $0x5F3759DF, v53  }
0x256: {  	v38 =	vadd.f32 v38, v46;
	v46 =	vmul.f32 v48, v59  }
0x257: {  	v37 =	vmul.f32 v37, v12;
	v12 =	vmovc v54;
	v40 =	vadd.f32 v40, v58;
	v41 =	vadd.f32 v44, v41  }
0x258: {  	v44 =	vmul.f32 v36, v13;
	v13 =	vmovc v42;
	v38 =	vadd.f32 v45, v38;
	v42 =	vmul.f32 v48, v46  }
0x259: {  	[tilespmem:s25+$0xF0] =	vst v37;
	v45 =	vmul.f32 v36, v16;
	v37 =	vperm.xlane v40, v1;
	v41 =	vadd.f32 v41, v43  }
0x25a: {  	[tilespmem:s25+$0x100] =	vst v44;
	v43 =	vmul.f32 v36, v18;
	v44 =	vmul.f32 v36, v17;
	v38 =	vadd.f32 v39, v38  }
0x25b: {  	v16 =	vmovc v52;
	v39 =	vsub.f32 $1.500000000e+00, v42;
	[tilespmem:s25+$0x110] =	vst v45;
	v37 =	vadd.f32 v40, v37;
	v40 =	vperm.xlane v41, v0  }
0x25c: {  	v18 =	vmovc v55;
	v17 =	vmov v57;
	v45 =	vmul.f32 v36, v19;
	[tilespmem:s25+$0x120] =	vst v43;
	v42 =	vperm.xlane v38, v0  }
0x25d: {  	v39 =	vmul.f32 v48, v39;
	[tilespmem:s25+$0x130] =	vst v44;
	v43 =	vperm.xlane v37, v2;
	v40 =	vadd.f32 v41, v40  }
0x25e: {  	vm0 =	vgt.f32 v51, $1.000000020e-24;
	v19 =	vmovc v50;
	[tilespmem:s25+$0x140] =	vst v45;
	v41 =	vmul.f32 v36, v14;
	v38 =	vadd.f32 v38, v42  }
0x25f: {  	v14 =	vmovc v56;
	v39 =	vnsel vm0, $0x5368D4A5, v39;
	v37 =	vadd.f32 v37, v43;
	v42 =	vperm.xlane v40, v1  }
0x260: {  	v35 =	vmul.f32 v39, v35;
	v43 =	vperm.xlane v38, v1  }
0x261: {  	[tilespmem:s25+$0x150] =	vst v41;
	v41 =	vmul.f32 v36, v15;
	v15 =	vmov v47;
	v44 =	vperm.xlane v37, v3  }
0x262: {  	v31 =	vmul.f32 v39, v31;
	v40 =	vadd.f32 v40, v42;
	[tilespmem:s28+$0x1F0] =	vst v35;
	v42 =	vmul.f32 v36, v20  }
0x263: {  	v32 =	vmul.f32 v39, v32;
	v35 =	vadd.f32 v38, v43;
	[tilespmem:s25+$0x160] =	vst v41;
	v36 =	vadd.f32 v37, v44  }
0x264: {  	v34 =	vmul.f32 v39, v34;
	v37 =	vperm.xlane v40, v2;
	[tilespmem:s25+$0x170] =	vst v42;
	s25 =	smov.u32 s28  }
0x265: {  	v20 =	vmovc v49;
	v38 =	vperm.xlane v35, v2;
	[tilespmem:s28+$0x180] =	vst v31;
	v31 =	vmul.f32 v39, v33;
	v33 =	vshrl.u32 v36, $0x1  }
0x266: {  	v41 =	vmul.f32 $5.000000000e-01, v36;
	vm1 =	vgt.f32 v36, $1.000000020e-24;
	v37 =	vadd.f32 v40, v37;
	[tilespmem:s28+$0x190] =	vst v32  }
.Ltmp3:
0x267: {  	v33 =	vsub.s32 $0x5F3759DF, v33;
	v38 =	vadd.f32 v35, v38;
	[tilespmem:s28+$0x1A0] =	vst v34;
	(pc) =	sbr.rel @p0 .LBB2_8-.Ltmp3, $4  }
0x268: {  	v32 =	vmul.f32 v33, v41;
	v35 =	vperm.xlane v37, v3;
	[tilespmem:s28+$0x1B0] =	vst v31  }
0x269: {  	v28 =	vmul.f32 v39, v28;
	v31 =	vperm.xlane v38, v3  }
0x26a: {  	v34 =	vmul.f32 v33, v32;
	v32 =	vmul.f32 v39, v29;
	v35 =	vadd.f32 v37, v35  }
0x26b: {  	s28 =	sadd.s32 $0x200, s28;
	v29 =	vadd.f32 v38, v31;
	[tilespmem:s25+$0x1C0] =	vst v28;
	v28 =	vmul.f32 v39, v30  }
0x26c: {  	_ = 	snop  }
0x26d: {  	v30 =	vsub.f32 $1.500000000e+00, v34;
	v31 =	vshrl.u32 v29, $0x1;
	v49 =	vmul.f32 $5.000000000e-01, v29  }
0x26e: {  	v31 =	vsub.s32 $0x5F3759DF, v31  }
0x26f: {  	v30 =	vmul.f32 v33, v30;
	v50 =	vmul.f32 v31, v49;
	_ =	sdelay $0x1  }
0x270: {  	v30 =	vnsel vm1, $0x5368D4A5, v30;
	v33 =	vmul.f32 v31, v50  }
0x271: {  	[tilespmem:s25+$0x1D0] =	vst v32;
	v21 =	vmul.f32 v30, v21  }
0x272: {  	[tilespmem:s25+$0x1E0] =	vst v28;
	v22 =	vmul.f32 v30, v22;
	v51 =	vsub.f32 $1.500000000e+00, v33  }
0x273: {  	v26 =	vmul.f32 v30, v26;
	[tilespmem:s25+$0x80] =	vst v21  }
0x274: {  	v52 =	vmul.f32 v30, v24;
	[tilespmem:s25+$0x90] =	vst v22;
	v53 =	vmul.f32 v31, v51  }
0x275: {  	v54 =	vshrl.u32 v35, $0x1;
	vm0 =	vgt.f32 v29, $1.000000020e-24;
	v25 =	vmul.f32 v30, v25;
	[tilespmem:s25+$0xA0] =	vst v26  }
0x276: {  	v55 =	vmul.f32 $5.000000000e-01, v35;
	v23 =	vmul.f32 v30, v23;
	[tilespmem:s25+$0xB0] =	vst v52;
	v56 =	vnsel vm0, $0x5368D4A5, v53  }
0x277: {  	v57 =	vsub.s32 $0x5F3759DF, v54;
	[tilespmem:s25+$0xC0] =	vst v25;
	v58 =	vmul.f32 v56, v27  }
0x278: {  	v59 =	vmul.f32 v57, v55;
	[tilespmem:s25+$0xD0] =	vst v23;
	v8 =	vmul.f32 v56, v8  }
0x279: {  	v9 =	vmul.f32 v56, v9;
	[tilespmem:s25+$0x0] =	vst v58  }
0x27a: {  	v60 =	vmul.f32 v57, v59;
	v61 =	vmul.f32 v56, v10;
	[tilespmem:s25+$0x10] =	vst v8  }
0x27b: {  	v4 =	vmul.f32 v56, v4;
	[tilespmem:s25+$0x20] =	vst v9  }
0x27c: {  	v62 =	vsub.f32 $1.500000000e+00, v60;
	v5 =	vmul.f32 v56, v5;
	[tilespmem:s25+$0x30] =	vst v61  }
0x27d: {  	[tilespmem:s25+$0x40] =	vst v4;
	v4 =	vmul.f32 v56, v6  }
0x27e: {  	v63 =	vmul.f32 v57, v62;
	[tilespmem:s25+$0x50] =	vst v5;
	v5 =	vmul.f32 v56, v7  }
0x27f: {  	vm15 =	vgt.f32 v35, $1.000000020e-24;
	[tilespmem:s25+$0x60] =	vst v4;
	v4 =	vmul.f32 v30, v11  }
0x280: {  	v6 =	vnsel vm15, $0x5368D4A5, v63;
	[tilespmem:s25+$0x70] =	vst v5;
	v5 =	vmul.f32 v30, v12  }
0x281: {  	[tilespmem:s25+$0xE0] =	vst v4;
	v4 =	vmul.f32 v6, v13  }
0x282: {  	[tilespmem:s25+$0xF0] =	vst v5;
	v5 =	vmul.f32 v6, v16  }
0x283: {  	[tilespmem:s25+$0x100] =	vst v4;
	v4 =	vmul.f32 v6, v18  }
0x284: {  	[tilespmem:s25+$0x110] =	vst v5;
	v5 =	vmul.f32 v6, v17  }
0x285: {  	[tilespmem:s25+$0x120] =	vst v4;
	v4 =	vmul.f32 v6, v19  }
0x286: {  	[tilespmem:s25+$0x130] =	vst v5;
	v5 =	vmul.f32 v6, v14  }
0x287: {  	[tilespmem:s25+$0x140] =	vst v4;
	v4 =	vmul.f32 v6, v15  }
0x288: {  	[tilespmem:s25+$0x150] =	vst v5;
	v5 =	vmul.f32 v6, v20  }
0x289: {  	[tilespmem:s25+$0x160] =	vst v4  }
0x28a: {  	[tilespmem:s25+$0x170] =	vst v5  }
0x28b: {  	[hbm4b:s9+s2] =	stream.linear.scatter [tilespmem:s18], [sflag:$0x5], $0x4000, $0x38;
	[tilespmem:$0x10200] =	vst v63  }
0x28c: {  	_ =	swait.ge [sflag:s23], $0x4000  }
0x28d: {  	[sflag:s23] =	ssyncset.done $0x0  }
0x28e: {  	[sflag:s23] =	ssyncadd.s32 $0xFFFFC000  }
0x28f: {  	_ =	swait.ge [sflag:s23], $0x4000  }
0x290: {  	[sflag:s23] =	ssyncset.done $0x0  }
0x291: {  	s24 =	sadd.s32 $0x1, s24;
	[sflag:s23] =	ssyncadd.s32 $0xFFFFC000  }
0x292: {  	p0 =	sne.s32 s24, s10;
	_ =	swait.ge [sflag:s23], $0x4000  }
.Ltmp4:
0x293: {  	[sflag:s23] =	ssyncset.done $0x0;
	(pc) =	sbr.rel @p0 .LBB2_1-.Ltmp4, $4  }
0x294: {  	[sflag:s23] =	ssyncadd.s32 $0xFFFFC000  }
0x295: {  	_ =	swait.ge [sflag:s23], $0x4000  }
0x296: {  	[sflag:s23] =	ssyncset.done $0x0  }
0x297: {  	[sflag:s23] =	ssyncadd.s32 $0xFFFFC000  }
0x298: {  	_ =	sfence.sel $0x180000  }
0x299: {  	[bflag:$0x0] =	sbarrier.arrive $0xFFFF  }
0x29a: {  	p0 =	sne.s32 s3, $0x0;
	_ =	strace $0x90000047  }
0x29b: {  	s0 =	sadd.s32 @!p0 $0x100000, s0;
	[bflag:$0x2] =	sbarrier.arrive $0xFFFF  }
0x29c: {  	[sflag:s0] =	ssyncadd.tile.s32 @!p0 $0x1;
	_ =	shalt  }
.Lfunc_end2:
_tile_overlayer_lowered:
.L_overlay_start_2:
0x29d: {  	(tag) =	ssettag $0x2  }
0x29e: {  	s0 =	rddreg [dreg:$0x0];
	s2 =	stileid.u32  }
0x29f: {  	s1 =	rddreg [dreg:$0x1];
	p0 =	sne.s32 s2, $0x0  }
0x2a0: {  	s3 =	rddreg [dreg:$0x2];
	[bflag:$0x3] =	sbarrier.arrive $0xFFFF;
	s2 =	simm.s32 @!p0 $0x1C06  }
0x2a1: {  	[timem:s3], [sflag:s2] =	dma.local @!p0 [hbm:s0], s1  }
0x2a2: {  	s0 =	simm.s32 @!p0 $0x6  }
0x2a3: {  	_ =	swait.ge @!p0 [sflag:s0], s1  }
0x2a4: {  	s1 =	ssub.s32 @!p0 $0x0, s1;
	[sflag:s0] =	ssyncset.done @!p0 $0x0  }
0x2a5: {  	[sflag:s0] =	ssyncadd.s32 @!p0 s1  }
0x2a6: {  	[bflag:$0x3] =	sbarrier.arrive $0xFFFF  }
0x2a7: {  	_ =	shalt  }

</sc_bundles>
